<compile_context>
chip_gen: v7x
topology: tpu7x:2x2x1
jax: 0.10.2.dev20260603
libtpu: 0.0.44.dev20260713+nightly
codegen_flags: <defaults>
</compile_context>

<pallas_src>
import functools

import jax
import jax.numpy as jnp
from jax import lax
from jax.experimental import pallas as pl
from jax.experimental.pallas import tpu as pltpu
from jax.experimental.pallas import tpu_sc as plsc

R = 128
N = 32768

NC = 2
NS = 16
NW = NC * NS
K_SC = NW
L = 16
NV = N // L
UNROLL = 8
STEPS = NV // UNROLL

_mesh = plsc.VectorSubcoreMesh(core_axis_name="c", subcore_axis_name="s",
                               num_cores=NC, num_subcores=NS)


def _xlane_reduce(x, op):
    for k in (1, 2, 4, 8):
        perm = lax.iota(jnp.int32, L) ^ k
        x = op(x, x.at[perm].get(mode="promise_in_bounds"))
    return x


NCHUNK = 2
CV = NV // NCHUNK
CSTEPS = CV // UNROLL


@functools.partial(
    pl.kernel,
    out_type=jax.ShapeDtypeStruct((NW, 128), jnp.int32),
    mesh=_mesh,
    scratch_types=[
        pltpu.VMEM((2, N // NCHUNK), jnp.float32),
        pltpu.VMEM((L,), jnp.int32),
        pltpu.SemaphoreType.DMA,
        pltpu.SemaphoreType.DMA,
    ],
)
def _argmax_rows_sc(x_hbm, out_hbm, buf, res, sem0, sem1):
    wid = lax.axis_index("s") * NC + lax.axis_index("c")
    lane = lax.iota(jnp.int32, L)
    sems = (sem0, sem1)
    csz = N // NCHUNK

    def start(c):
        return pltpu.async_copy(x_hbm.at[wid, pl.ds(c * csz, csz)],
                                buf.at[c % 2], sems[c % 2])

    def scan_chunk(c, carry):
        cbuf = buf.at[c % 2]

        def step(i, carry):
            mvals, msteps = carry
            base = i * (UNROLL * L)
            ibc = jnp.broadcast_to(c * CSTEPS + i, (L,))
            mvals, msteps = list(mvals), list(msteps)
            for u in range(UNROLL):
                v = cbuf[pl.ds(base + u * L, L)]
                p = v > mvals[u]
                mvals[u] = jnp.where(p, v, mvals[u])
                msteps[u] = jnp.where(p, ibc, msteps[u])
            return tuple(mvals), tuple(msteps)

        return plsc.parallel_loop(0, CSTEPS, 1, unroll=4, carry=carry)(
            lambda i, cc: step(i, cc))

    carry = (tuple(jnp.full((L,), -jnp.inf, jnp.float32)
                   for _ in range(UNROLL)),
             tuple(jnp.zeros((L,), jnp.int32) for _ in range(UNROLL)))
    descs = [start(0)]
    for c in range(NCHUNK):
        if c + 1 < NCHUNK:
            descs.append(start(c + 1))
        descs[c].wait()
        carry = scan_chunk(c, carry)
    mvals, msteps = carry

    pairs = [(mvals[u], (msteps[u] * UNROLL + u) * L + lane)
             for u in range(UNROLL)]
    while len(pairs) > 1:
        nxt = []
        for j in range(0, len(pairs), 2):
            (av, ai), (bv, bi) = pairs[j], pairs[j + 1]
            p = (av > bv) | ((av == bv) & (ai < bi))
            nxt.append((jnp.where(p, av, bv), jnp.where(p, ai, bi)))
        pairs = nxt
    mval, midx = pairs[0]
    m = _xlane_reduce(mval, jnp.maximum)
    cand = jnp.where(mval == m, midx, jnp.broadcast_to(jnp.int32(N), (L,)))
    r = _xlane_reduce(cand, jnp.minimum)
    res[...] = jnp.where(lane == 0, r, jnp.zeros((L,), jnp.int32))
    pltpu.sync_copy(res, out_hbm.at[wid, pl.ds(0, L)])


TR = 32
TLANES = 128
TJ = N // TLANES
TU = 8
TSTEPS = TJ // TU


def _argmax_rows_tc_body(x_ref, o_ref):
    lane = lax.broadcasted_iota(jnp.int32, (TR, TLANES), 1)

    def step(j, carry):
        mvals, msteps = carry
        mvals, msteps = list(mvals), list(msteps)
        jbc = jnp.broadcast_to(j, (TR, TLANES))
        for u in range(TU):
            col = (j * TU + u) * TLANES
            v = x_ref[:, pl.ds(col, TLANES)]
            p = v > mvals[u]
            mvals[u] = jnp.where(p, v, mvals[u])
            msteps[u] = jnp.where(p, jbc, msteps[u])
        return tuple(mvals), tuple(msteps)

    init = (tuple(jnp.full((TR, TLANES), -jnp.inf, jnp.float32)
                  for _ in range(TU)),
            tuple(jnp.zeros((TR, TLANES), jnp.int32) for _ in range(TU)))
    mvals, msteps = lax.fori_loop(0, TSTEPS, step, init, unroll=4)

    pairs = [(mvals[u], msteps[u] * (TU * TLANES) + (lane + u * TLANES))
             for u in range(TU)]
    while len(pairs) > 1:
        nxt = []
        for j in range(0, len(pairs), 2):
            (av, ai), (bv, bi) = pairs[j], pairs[j + 1]
            p = (av > bv) | ((av == bv) & (ai < bi))
            nxt.append((jnp.where(p, av, bv), jnp.where(p, ai, bi)))
        pairs = nxt
    mval, midx = pairs[0]
    m = jnp.max(mval, axis=1, keepdims=True)
    cand = jnp.where(mval == m, midx, jnp.int32(N))
    r = jnp.min(cand, axis=1, keepdims=True)
    o_ref[...] = jnp.broadcast_to(r, (TR, TLANES))


def _argmax_rows_tc(x, row_start, n_rows):
    blk0 = row_start // TR
    return pl.pallas_call(
        _argmax_rows_tc_body,
        grid=(n_rows // TR,),
        in_specs=[pl.BlockSpec((TR, N), lambda i: (blk0 + i, 0))],
        out_specs=pl.BlockSpec((TR, TLANES), lambda i: (i, 0)),
        out_shape=jax.ShapeDtypeStruct((n_rows, TLANES), jnp.int32),
    )(x)


def kernel(inputs):
    tc = _argmax_rows_tc(inputs, K_SC, R - K_SC)
    sc = _argmax_rows_sc(inputs)
    out = jnp.concatenate([sc, tc])[:, 0]
    return out.astype(jnp.int64)

# --- scband reference (transcript-rebuilt; emitter-appended) ---
"""Pipeline reference for scband-arg-reduce-function-wrapper-16423954940600 (READ-ONLY COPY).

The authoritative reference and input builder live on the scoring server;
editing this copy changes nothing except your own understanding.
"""

import jax, jax.numpy as jnp
import numpy as np

def setup_inputs(seed: int = 0) -> dict:
    key = jax.random.key(seed)
    inputs = jax.random.normal(key, (128, 32768), dtype=jnp.float32)
    return {"inputs": inputs}

def reference(inputs):
    # ArgReduceFunctionWrapper with reduce_fn=tf.math.argmax, axis=-1, output_type=int64
    out = jnp.argmax(inputs, axis=-1).astype(jnp.int64)
    return out

if __name__ == "__main__":
    import jax
    _d = setup_inputs()
    print(jax.jit(kernel)(*tuple(_d.values())))

</pallas_src>

<mosaic_0001>
#map = affine_map<(d0, d1) -> (0, 0)>
module attributes {stable_mosaic.version = 14 : i64} {
  func.func @_argmax_rows_sc(%arg0: i32, %arg1: i32, %arg2: memref<128x32768xf32, #tpu.memory_space<hbm>>, %arg3: memref<32x128xi32, #tpu.memory_space<hbm>>, %arg4: memref<2x16384xf32, #tpu.memory_space<vmem>>, %arg5: memref<16xi32, #tpu.memory_space<vmem>>, %arg6: memref<!tpu.dma_semaphore, #tpu.memory_space<semaphore_mem>>, %arg7: memref<!tpu.dma_semaphore, #tpu.memory_space<semaphore_mem>>) attributes {dimension_semantics = [#tpu.dimension_semantics<core_parallel>, #tpu.dimension_semantics<subcore_parallel>], iteration_bounds = array<i64: 2, 16>, scalar_prefetch = 0 : i64, scratch_operands = 4 : i64, tpu.core_type = #tpu.core_type<sc_vector_subcore>, window_params = [{transform_indices = #map}, {transform_indices = #map}]} {
    %mul3A = arith.constant 2 : i32
    %mul3A_0 = arith.muli %arg1, %mul3A : i32
    %add3A = arith.addi %mul3A_0, %arg0 : i32
    %iota3A = tpu.iota {dimensions = array<i32: 0>} : vector<16xi32>
    %broadcast_in_dim3A = arith.constant 0xFF800000 : f32
    %broadcast_in_dim3A_1 = vector.broadcast %broadcast_in_dim3A : f32 to vector<16xf32>
    %broadcast_in_dim3A_2 = arith.constant 0xFF800000 : f32
    %broadcast_in_dim3A_3 = vector.broadcast %broadcast_in_dim3A_2 : f32 to vector<16xf32>
    %broadcast_in_dim3A_4 = arith.constant 0xFF800000 : f32
    %broadcast_in_dim3A_5 = vector.broadcast %broadcast_in_dim3A_4 : f32 to vector<16xf32>
    %broadcast_in_dim3A_6 = arith.constant 0xFF800000 : f32
    %broadcast_in_dim3A_7 = vector.broadcast %broadcast_in_dim3A_6 : f32 to vector<16xf32>
    %broadcast_in_dim3A_8 = arith.constant 0xFF800000 : f32
    %broadcast_in_dim3A_9 = vector.broadcast %broadcast_in_dim3A_8 : f32 to vector<16xf32>
    %broadcast_in_dim3A_10 = arith.constant 0xFF800000 : f32
    %broadcast_in_dim3A_11 = vector.broadcast %broadcast_in_dim3A_10 : f32 to vector<16xf32>
    %broadcast_in_dim3A_12 = arith.constant 0xFF800000 : f32
    %broadcast_in_dim3A_13 = vector.broadcast %broadcast_in_dim3A_12 : f32 to vector<16xf32>
    %broadcast_in_dim3A_14 = arith.constant 0xFF800000 : f32
    %broadcast_in_dim3A_15 = vector.broadcast %broadcast_in_dim3A_14 : f32 to vector<16xf32>
    %broadcast_in_dim3A_16 = arith.constant 0 : i32
    %broadcast_in_dim3A_17 = vector.broadcast %broadcast_in_dim3A_16 : i32 to vector<16xi32>
    %broadcast_in_dim3A_18 = arith.constant 0 : i32
    %broadcast_in_dim3A_19 = vector.broadcast %broadcast_in_dim3A_18 : i32 to vector<16xi32>
    %broadcast_in_dim3A_20 = arith.constant 0 : i32
    %broadcast_in_dim3A_21 = vector.broadcast %broadcast_in_dim3A_20 : i32 to vector<16xi32>
    %broadcast_in_dim3A_22 = arith.constant 0 : i32
    %broadcast_in_dim3A_23 = vector.broadcast %broadcast_in_dim3A_22 : i32 to vector<16xi32>
    %broadcast_in_dim3A_24 = arith.constant 0 : i32
    %broadcast_in_dim3A_25 = vector.broadcast %broadcast_in_dim3A_24 : i32 to vector<16xi32>
    %broadcast_in_dim3A_26 = arith.constant 0 : i32
    %broadcast_in_dim3A_27 = vector.broadcast %broadcast_in_dim3A_26 : i32 to vector<16xi32>
    %broadcast_in_dim3A_28 = arith.constant 0 : i32
    %broadcast_in_dim3A_29 = vector.broadcast %broadcast_in_dim3A_28 : i32 to vector<16xi32>
    %broadcast_in_dim3A_30 = arith.constant 0 : i32
    %broadcast_in_dim3A_31 = vector.broadcast %broadcast_in_dim3A_30 : i32 to vector<16xi32>
    %dma_start3A = arith.constant 0 : i32
    %dma_start3A_32 = arith.constant 0 : i32
    %dma_start3A_33 = tpu.memref_slice %arg4[%dma_start3A, %dma_start3A_32] : memref<2x16384xf32, #tpu.memory_space<vmem>> -> memref<1x16384xf32, #tpu.memory_space<vmem>>
    %dma_start3A_34 = tpu.memref_squeeze %dma_start3A_33 : memref<1x16384xf32, #tpu.memory_space<vmem>> -> memref<16384xf32, #tpu.memory_space<vmem>>
    %dma_start3A_35 = arith.constant 0 : i32
    %dma_start3A_36 = tpu.memref_slice %arg2[%add3A, %dma_start3A_35] : memref<128x32768xf32, #tpu.memory_space<hbm>> -> memref<1x16384xf32, #tpu.memory_space<hbm>>
    %dma_start3A_37 = tpu.memref_squeeze %dma_start3A_36 : memref<1x16384xf32, #tpu.memory_space<hbm>> -> memref<16384xf32, #tpu.memory_space<hbm>>
    %dma_start3A_38 = arith.constant 0 : i32
    %dma_start3A_39 = tpu.memref_slice %arg4[%dma_start3A, %dma_start3A_38] : memref<2x16384xf32, #tpu.memory_space<vmem>> -> memref<1x16384xf32, #tpu.memory_space<vmem>>
    %dma_start3A_40 = tpu.memref_squeeze %dma_start3A_39 : memref<1x16384xf32, #tpu.memory_space<vmem>> -> memref<16384xf32, #tpu.memory_space<vmem>>
    %dma_start3A_41 = arith.constant 0 : i32
    %dma_start3A_42 = tpu.memref_slice %arg2[%add3A, %dma_start3A_41] : memref<128x32768xf32, #tpu.memory_space<hbm>> -> memref<1x16384xf32, #tpu.memory_space<hbm>>
    %dma_start3A_43 = tpu.memref_squeeze %dma_start3A_42 : memref<1x16384xf32, #tpu.memory_space<hbm>> -> memref<16384xf32, #tpu.memory_space<hbm>>
    tpu.enqueue_dma source(%dma_start3A_43 : memref<16384xf32, #tpu.memory_space<hbm>>) target(%dma_start3A_40 : memref<16384xf32, #tpu.memory_space<vmem>>) target_semaphore(%arg6 : memref<!tpu.dma_semaphore, #tpu.memory_space<semaphore_mem>>)
    %dma_start3A_44 = arith.constant 1 : i32
    %dma_start3A_45 = arith.constant 0 : i32
    %dma_start3A_46 = tpu.memref_slice %arg4[%dma_start3A_44, %dma_start3A_45] : memref<2x16384xf32, #tpu.memory_space<vmem>> -> memref<1x16384xf32, #tpu.memory_space<vmem>>
    %dma_start3A_47 = tpu.memref_squeeze %dma_start3A_46 : memref<1x16384xf32, #tpu.memory_space<vmem>> -> memref<16384xf32, #tpu.memory_space<vmem>>
    %dma_start3A_48 = arith.constant 16384 : i32
    %dma_start3A_49 = tpu.memref_slice %arg2[%add3A, %dma_start3A_48] : memref<128x32768xf32, #tpu.memory_space<hbm>> -> memref<1x16384xf32, #tpu.memory_space<hbm>>
    %dma_start3A_50 = tpu.memref_squeeze %dma_start3A_49 : memref<1x16384xf32, #tpu.memory_space<hbm>> -> memref<16384xf32, #tpu.memory_space<hbm>>
    %dma_start3A_51 = arith.constant 0 : i32
    %dma_start3A_52 = tpu.memref_slice %arg4[%dma_start3A_44, %dma_start3A_51] : memref<2x16384xf32, #tpu.memory_space<vmem>> -> memref<1x16384xf32, #tpu.memory_space<vmem>>
    %dma_start3A_53 = tpu.memref_squeeze %dma_start3A_52 : memref<1x16384xf32, #tpu.memory_space<vmem>> -> memref<16384xf32, #tpu.memory_space<vmem>>
    %dma_start3A_54 = arith.constant 16384 : i32
    %dma_start3A_55 = tpu.memref_slice %arg2[%add3A, %dma_start3A_54] : memref<128x32768xf32, #tpu.memory_space<hbm>> -> memref<1x16384xf32, #tpu.memory_space<hbm>>
    %dma_start3A_56 = tpu.memref_squeeze %dma_start3A_55 : memref<1x16384xf32, #tpu.memory_space<hbm>> -> memref<16384xf32, #tpu.memory_space<hbm>>
    tpu.enqueue_dma source(%dma_start3A_56 : memref<16384xf32, #tpu.memory_space<hbm>>) target(%dma_start3A_53 : memref<16384xf32, #tpu.memory_space<vmem>>) target_semaphore(%arg7 : memref<!tpu.dma_semaphore, #tpu.memory_space<semaphore_mem>>)
    %dma_wait3A = arith.constant 0 : i32
    %dma_wait3A_57 = arith.constant 0 : i32
    %dma_wait3A_58 = tpu.memref_slice %arg4[%dma_wait3A, %dma_wait3A_57] : memref<2x16384xf32, #tpu.memory_space<vmem>> -> memref<1x16384xf32, #tpu.memory_space<vmem>>
    %dma_wait3A_59 = tpu.memref_squeeze %dma_wait3A_58 : memref<1x16384xf32, #tpu.memory_space<vmem>> -> memref<16384xf32, #tpu.memory_space<vmem>>
    %dma_wait3A_60 = arith.constant 0 : i32
    %dma_wait3A_61 = tpu.memref_slice %arg2[%add3A, %dma_wait3A_60] : memref<128x32768xf32, #tpu.memory_space<hbm>> -> memref<1x16384xf32, #tpu.memory_space<hbm>>
    %dma_wait3A_62 = tpu.memref_squeeze %dma_wait3A_61 : memref<1x16384xf32, #tpu.memory_space<hbm>> -> memref<16384xf32, #tpu.memory_space<hbm>>
    %dma_wait3A_63 = arith.constant 0 : i32
    %dma_wait3A_64 = tpu.memref_slice %arg4[%dma_wait3A, %dma_wait3A_63] : memref<2x16384xf32, #tpu.memory_space<vmem>> -> memref<1x16384xf32, #tpu.memory_space<vmem>>
    %dma_wait3A_65 = tpu.memref_squeeze %dma_wait3A_64 : memref<1x16384xf32, #tpu.memory_space<vmem>> -> memref<16384xf32, #tpu.memory_space<vmem>>
    %dma_wait3A_66 = arith.constant 0 : i32
    %dma_wait3A_67 = tpu.memref_slice %arg2[%add3A, %dma_wait3A_66] : memref<128x32768xf32, #tpu.memory_space<hbm>> -> memref<1x16384xf32, #tpu.memory_space<hbm>>
    %dma_wait3A_68 = tpu.memref_squeeze %dma_wait3A_67 : memref<1x16384xf32, #tpu.memory_space<hbm>> -> memref<16384xf32, #tpu.memory_space<hbm>>
    tpu.wait_dma2 semaphore(%arg6 : memref<!tpu.dma_semaphore, #tpu.memory_space<semaphore_mem>>) src(%dma_wait3A_68 : memref<16384xf32, #tpu.memory_space<hbm>>) dst(%dma_wait3A_65 : memref<16384xf32, #tpu.memory_space<vmem>>)
    %parallel_loop3A = arith.constant 0 : i32
    %parallel_loop3A_69 = arith.constant 128 : i32
    %parallel_loop3A_70 = arith.constant 1 : i32
    %parallel_loop3A_71 = arith.constant 0 : i32
    %parallel_loop3A_72:16 = scf.for %parallel_loop3A_343 = %parallel_loop3A to %parallel_loop3A_69 step %parallel_loop3A_70 iter_args(%parallel_loop3A_344 = %broadcast_in_dim3A_1, %parallel_loop3A_345 = %broadcast_in_dim3A_3, %parallel_loop3A_346 = %broadcast_in_dim3A_5, %parallel_loop3A_347 = %broadcast_in_dim3A_7, %parallel_loop3A_348 = %broadcast_in_dim3A_9, %parallel_loop3A_349 = %broadcast_in_dim3A_11, %parallel_loop3A_350 = %broadcast_in_dim3A_13, %parallel_loop3A_351 = %broadcast_in_dim3A_15, %parallel_loop3A_352 = %broadcast_in_dim3A_17, %parallel_loop3A_353 = %broadcast_in_dim3A_19, %parallel_loop3A_354 = %broadcast_in_dim3A_21, %parallel_loop3A_355 = %broadcast_in_dim3A_23, %parallel_loop3A_356 = %broadcast_in_dim3A_25, %parallel_loop3A_357 = %broadcast_in_dim3A_27, %parallel_loop3A_358 = %broadcast_in_dim3A_29, %parallel_loop3A_359 = %broadcast_in_dim3A_31) -> (vector<16xf32>, vector<16xf32>, vector<16xf32>, vector<16xf32>, vector<16xf32>, vector<16xf32>, vector<16xf32>, vector<16xf32>, vector<16xi32>, vector<16xi32>, vector<16xi32>, vector<16xi32>, vector<16xi32>, vector<16xi32>, vector<16xi32>, vector<16xi32>)  : i32 {
      %parallel_loop3A_360 = arith.constant 128 : i32
      %parallel_loop3A_361 = arith.muli %parallel_loop3A_343, %parallel_loop3A_360 : i32
      %parallel_loop3A_362 = arith.constant 0 : i32
      %parallel_loop3A_363 = arith.addi %parallel_loop3A_362, %parallel_loop3A_343 : i32
      %parallel_loop3A_364 = vector.broadcast %parallel_loop3A_363 : i32 to vector<16xi32>
      %parallel_loop3A_365 = arith.constant 0 : i32
      %parallel_loop3A_366 = arith.addi %parallel_loop3A_361, %parallel_loop3A_365 : i32
      %parallel_loop3A_367 = arith.constant 0 : i32
      %parallel_loop3A_368 = tpu.memref_slice %arg4[%parallel_loop3A_71, %parallel_loop3A_367] : memref<2x16384xf32, #tpu.memory_space<vmem>> -> memref<1x16384xf32, #tpu.memory_space<vmem>>
      %parallel_loop3A_369 = tpu.memref_squeeze %parallel_loop3A_368 : memref<1x16384xf32, #tpu.memory_space<vmem>> -> memref<16384xf32, #tpu.memory_space<vmem>>
      %parallel_loop3A_370 = arith.index_cast %parallel_loop3A_366 : i32 to index
      %parallel_loop3A_371 = tpu.vector_load %parallel_loop3A_369[%parallel_loop3A_370] {strides = array<i32>} : memref<16384xf32, #tpu.memory_space<vmem>>, vector<16xf32>,
      %parallel_loop3A_372 = vector.shape_cast %parallel_loop3A_371 : vector<16xf32> to vector<16xf32>
      %parallel_loop3A_373 = arith.cmpf ogt, %parallel_loop3A_372, %parallel_loop3A_344 : vector<16xf32>
      %parallel_loop3A_374 = arith.select %parallel_loop3A_373, %parallel_loop3A_372, %parallel_loop3A_344 : vector<16xi1>, vector<16xf32>
      %parallel_loop3A_375 = arith.select %parallel_loop3A_373, %parallel_loop3A_364, %parallel_loop3A_352 : vector<16xi1>, vector<16xi32>
      %parallel_loop3A_376 = arith.constant 16 : i32
      %parallel_loop3A_377 = arith.addi %parallel_loop3A_361, %parallel_loop3A_376 : i32
      %parallel_loop3A_378 = arith.constant 0 : i32
      %parallel_loop3A_379 = tpu.memref_slice %arg4[%parallel_loop3A_71, %parallel_loop3A_378] : memref<2x16384xf32, #tpu.memory_space<vmem>> -> memref<1x16384xf32, #tpu.memory_space<vmem>>
      %parallel_loop3A_380 = tpu.memref_squeeze %parallel_loop3A_379 : memref<1x16384xf32, #tpu.memory_space<vmem>> -> memref<16384xf32, #tpu.memory_space<vmem>>
      %parallel_loop3A_381 = arith.index_cast %parallel_loop3A_377 : i32 to index
      %parallel_loop3A_382 = tpu.vector_load %parallel_loop3A_380[%parallel_loop3A_381] {strides = array<i32>} : memref<16384xf32, #tpu.memory_space<vmem>>, vector<16xf32>,
      %parallel_loop3A_383 = vector.shape_cast %parallel_loop3A_382 : vector<16xf32> to vector<16xf32>
      %parallel_loop3A_384 = arith.cmpf ogt, %parallel_loop3A_383, %parallel_loop3A_345 : vector<16xf32>
      %parallel_loop3A_385 = arith.select %parallel_loop3A_384, %parallel_loop3A_383, %parallel_loop3A_345 : vector<16xi1>, vector<16xf32>
      %parallel_loop3A_386 = arith.select %parallel_loop3A_384, %parallel_loop3A_364, %parallel_loop3A_353 : vector<16xi1>, vector<16xi32>
      %parallel_loop3A_387 = arith.constant 32 : i32
      %parallel_loop3A_388 = arith.addi %parallel_loop3A_361, %parallel_loop3A_387 : i32
      %parallel_loop3A_389 = arith.constant 0 : i32
      %parallel_loop3A_390 = tpu.memref_slice %arg4[%parallel_loop3A_71, %parallel_loop3A_389] : memref<2x16384xf32, #tpu.memory_space<vmem>> -> memref<1x16384xf32, #tpu.memory_space<vmem>>
      %parallel_loop3A_391 = tpu.memref_squeeze %parallel_loop3A_390 : memref<1x16384xf32, #tpu.memory_space<vmem>> -> memref<16384xf32, #tpu.memory_space<vmem>>
      %parallel_loop3A_392 = arith.index_cast %parallel_loop3A_388 : i32 to index
      %parallel_loop3A_393 = tpu.vector_load %parallel_loop3A_391[%parallel_loop3A_392] {strides = array<i32>} : memref<16384xf32, #tpu.memory_space<vmem>>, vector<16xf32>,
      %parallel_loop3A_394 = vector.shape_cast %parallel_loop3A_393 : vector<16xf32> to vector<16xf32>
      %parallel_loop3A_395 = arith.cmpf ogt, %parallel_loop3A_394, %parallel_loop3A_346 : vector<16xf32>
      %parallel_loop3A_396 = arith.select %parallel_loop3A_395, %parallel_loop3A_394, %parallel_loop3A_346 : vector<16xi1>, vector<16xf32>
      %parallel_loop3A_397 = arith.select %parallel_loop3A_395, %parallel_loop3A_364, %parallel_loop3A_354 : vector<16xi1>, vector<16xi32>
      %parallel_loop3A_398 = arith.constant 48 : i32
      %parallel_loop3A_399 = arith.addi %parallel_loop3A_361, %parallel_loop3A_398 : i32
      %parallel_loop3A_400 = arith.constant 0 : i32
      %parallel_loop3A_401 = tpu.memref_slice %arg4[%parallel_loop3A_71, %parallel_loop3A_400] : memref<2x16384xf32, #tpu.memory_space<vmem>> -> memref<1x16384xf32, #tpu.memory_space<vmem>>
      %parallel_loop3A_402 = tpu.memref_squeeze %parallel_loop3A_401 : memref<1x16384xf32, #tpu.memory_space<vmem>> -> memref<16384xf32, #tpu.memory_space<vmem>>
      %parallel_loop3A_403 = arith.index_cast %parallel_loop3A_399 : i32 to index
      %parallel_loop3A_404 = tpu.vector_load %parallel_loop3A_402[%parallel_loop3A_403] {strides = array<i32>} : memref<16384xf32, #tpu.memory_space<vmem>>, vector<16xf32>,
      %parallel_loop3A_405 = vector.shape_cast %parallel_loop3A_404 : vector<16xf32> to vector<16xf32>
      %parallel_loop3A_406 = arith.cmpf ogt, %parallel_loop3A_405, %parallel_loop3A_347 : vector<16xf32>
      %parallel_loop3A_407 = arith.select %parallel_loop3A_406, %parallel_loop3A_405, %parallel_loop3A_347 : vector<16xi1>, vector<16xf32>
      %parallel_loop3A_408 = arith.select %parallel_loop3A_406, %parallel_loop3A_364, %parallel_loop3A_355 : vector<16xi1>, vector<16xi32>
      %parallel_loop3A_409 = arith.constant 64 : i32
      %parallel_loop3A_410 = arith.addi %parallel_loop3A_361, %parallel_loop3A_409 : i32
      %parallel_loop3A_411 = arith.constant 0 : i32
      %parallel_loop3A_412 = tpu.memref_slice %arg4[%parallel_loop3A_71, %parallel_loop3A_411] : memref<2x16384xf32, #tpu.memory_space<vmem>> -> memref<1x16384xf32, #tpu.memory_space<vmem>>
      %parallel_loop3A_413 = tpu.memref_squeeze %parallel_loop3A_412 : memref<1x16384xf32, #tpu.memory_space<vmem>> -> memref<16384xf32, #tpu.memory_space<vmem>>
      %parallel_loop3A_414 = arith.index_cast %parallel_loop3A_410 : i32 to index
      %parallel_loop3A_415 = tpu.vector_load %parallel_loop3A_413[%parallel_loop3A_414] {strides = array<i32>} : memref<16384xf32, #tpu.memory_space<vmem>>, vector<16xf32>,
      %parallel_loop3A_416 = vector.shape_cast %parallel_loop3A_415 : vector<16xf32> to vector<16xf32>
      %parallel_loop3A_417 = arith.cmpf ogt, %parallel_loop3A_416, %parallel_loop3A_348 : vector<16xf32>
      %parallel_loop3A_418 = arith.select %parallel_loop3A_417, %parallel_loop3A_416, %parallel_loop3A_348 : vector<16xi1>, vector<16xf32>
      %parallel_loop3A_419 = arith.select %parallel_loop3A_417, %parallel_loop3A_364, %parallel_loop3A_356 : vector<16xi1>, vector<16xi32>
      %parallel_loop3A_420 = arith.constant 80 : i32
      %parallel_loop3A_421 = arith.addi %parallel_loop3A_361, %parallel_loop3A_420 : i32
      %parallel_loop3A_422 = arith.constant 0 : i32
      %parallel_loop3A_423 = tpu.memref_slice %arg4[%parallel_loop3A_71, %parallel_loop3A_422] : memref<2x16384xf32, #tpu.memory_space<vmem>> -> memref<1x16384xf32, #tpu.memory_space<vmem>>
      %parallel_loop3A_424 = tpu.memref_squeeze %parallel_loop3A_423 : memref<1x16384xf32, #tpu.memory_space<vmem>> -> memref<16384xf32, #tpu.memory_space<vmem>>
      %parallel_loop3A_425 = arith.index_cast %parallel_loop3A_421 : i32 to index
      %parallel_loop3A_426 = tpu.vector_load %parallel_loop3A_424[%parallel_loop3A_425] {strides = array<i32>} : memref<16384xf32, #tpu.memory_space<vmem>>, vector<16xf32>,
      %parallel_loop3A_427 = vector.shape_cast %parallel_loop3A_426 : vector<16xf32> to vector<16xf32>
      %parallel_loop3A_428 = arith.cmpf ogt, %parallel_loop3A_427, %parallel_loop3A_349 : vector<16xf32>
      %parallel_loop3A_429 = arith.select %parallel_loop3A_428, %parallel_loop3A_427, %parallel_loop3A_349 : vector<16xi1>, vector<16xf32>
      %parallel_loop3A_430 = arith.select %parallel_loop3A_428, %parallel_loop3A_364, %parallel_loop3A_357 : vector<16xi1>, vector<16xi32>
      %parallel_loop3A_431 = arith.constant 96 : i32
      %parallel_loop3A_432 = arith.addi %parallel_loop3A_361, %parallel_loop3A_431 : i32
      %parallel_loop3A_433 = arith.constant 0 : i32
      %parallel_loop3A_434 = tpu.memref_slice %arg4[%parallel_loop3A_71, %parallel_loop3A_433] : memref<2x16384xf32, #tpu.memory_space<vmem>> -> memref<1x16384xf32, #tpu.memory_space<vmem>>
      %parallel_loop3A_435 = tpu.memref_squeeze %parallel_loop3A_434 : memref<1x16384xf32, #tpu.memory_space<vmem>> -> memref<16384xf32, #tpu.memory_space<vmem>>
      %parallel_loop3A_436 = arith.index_cast %parallel_loop3A_432 : i32 to index
      %parallel_loop3A_437 = tpu.vector_load %parallel_loop3A_435[%parallel_loop3A_436] {strides = array<i32>} : memref<16384xf32, #tpu.memory_space<vmem>>, vector<16xf32>,
      %parallel_loop3A_438 = vector.shape_cast %parallel_loop3A_437 : vector<16xf32> to vector<16xf32>
      %parallel_loop3A_439 = arith.cmpf ogt, %parallel_loop3A_438, %parallel_loop3A_350 : vector<16xf32>
      %parallel_loop3A_440 = arith.select %parallel_loop3A_439, %parallel_loop3A_438, %parallel_loop3A_350 : vector<16xi1>, vector<16xf32>
      %parallel_loop3A_441 = arith.select %parallel_loop3A_439, %parallel_loop3A_364, %parallel_loop3A_358 : vector<16xi1>, vector<16xi32>
      %parallel_loop3A_442 = arith.constant 112 : i32
      %parallel_loop3A_443 = arith.addi %parallel_loop3A_361, %parallel_loop3A_442 : i32
      %parallel_loop3A_444 = arith.constant 0 : i32
      %parallel_loop3A_445 = tpu.memref_slice %arg4[%parallel_loop3A_71, %parallel_loop3A_444] : memref<2x16384xf32, #tpu.memory_space<vmem>> -> memref<1x16384xf32, #tpu.memory_space<vmem>>
      %parallel_loop3A_446 = tpu.memref_squeeze %parallel_loop3A_445 : memref<1x16384xf32, #tpu.memory_space<vmem>> -> memref<16384xf32, #tpu.memory_space<vmem>>
      %parallel_loop3A_447 = arith.index_cast %parallel_loop3A_443 : i32 to index
      %parallel_loop3A_448 = tpu.vector_load %parallel_loop3A_446[%parallel_loop3A_447] {strides = array<i32>} : memref<16384xf32, #tpu.memory_space<vmem>>, vector<16xf32>,
      %parallel_loop3A_449 = vector.shape_cast %parallel_loop3A_448 : vector<16xf32> to vector<16xf32>
      %parallel_loop3A_450 = arith.cmpf ogt, %parallel_loop3A_449, %parallel_loop3A_351 : vector<16xf32>
      %parallel_loop3A_451 = arith.select %parallel_loop3A_450, %parallel_loop3A_449, %parallel_loop3A_351 : vector<16xi1>, vector<16xf32>
      %parallel_loop3A_452 = arith.select %parallel_loop3A_450, %parallel_loop3A_364, %parallel_loop3A_359 : vector<16xi1>, vector<16xi32>
      scf.yield %parallel_loop3A_374, %parallel_loop3A_385, %parallel_loop3A_396, %parallel_loop3A_407, %parallel_loop3A_418, %parallel_loop3A_429, %parallel_loop3A_440, %parallel_loop3A_451, %parallel_loop3A_375, %parallel_loop3A_386, %parallel_loop3A_397, %parallel_loop3A_408, %parallel_loop3A_419, %parallel_loop3A_430, %parallel_loop3A_441, %parallel_loop3A_452 : vector<16xf32>, vector<16xf32>, vector<16xf32>, vector<16xf32>, vector<16xf32>, vector<16xf32>, vector<16xf32>, vector<16xf32>, vector<16xi32>, vector<16xi32>, vector<16xi32>, vector<16xi32>, vector<16xi32>, vector<16xi32>, vector<16xi32>, vector<16xi32>
    } {sc.loop_unroll_factor = 4 : i64, sc.parallel_access}
    %dma_wait3A_73 = arith.constant 1 : i32
    %dma_wait3A_74 = arith.constant 0 : i32
    %dma_wait3A_75 = tpu.memref_slice %arg4[%dma_wait3A_73, %dma_wait3A_74] : memref<2x16384xf32, #tpu.memory_space<vmem>> -> memref<1x16384xf32, #tpu.memory_space<vmem>>
    %dma_wait3A_76 = tpu.memref_squeeze %dma_wait3A_75 : memref<1x16384xf32, #tpu.memory_space<vmem>> -> memref<16384xf32, #tpu.memory_space<vmem>>
    %dma_wait3A_77 = arith.constant 16384 : i32
    %dma_wait3A_78 = tpu.memref_slice %arg2[%add3A, %dma_wait3A_77] : memref<128x32768xf32, #tpu.memory_space<hbm>> -> memref<1x16384xf32, #tpu.memory_space<hbm>>
    %dma_wait3A_79 = tpu.memref_squeeze %dma_wait3A_78 : memref<1x16384xf32, #tpu.memory_space<hbm>> -> memref<16384xf32, #tpu.memory_space<hbm>>
    %dma_wait3A_80 = arith.constant 0 : i32
    %dma_wait3A_81 = tpu.memref_slice %arg4[%dma_wait3A_73, %dma_wait3A_80] : memref<2x16384xf32, #tpu.memory_space<vmem>> -> memref<1x16384xf32, #tpu.memory_space<vmem>>
    %dma_wait3A_82 = tpu.memref_squeeze %dma_wait3A_81 : memref<1x16384xf32, #tpu.memory_space<vmem>> -> memref<16384xf32, #tpu.memory_space<vmem>>
    %dma_wait3A_83 = arith.constant 16384 : i32
    %dma_wait3A_84 = tpu.memref_slice %arg2[%add3A, %dma_wait3A_83] : memref<128x32768xf32, #tpu.memory_space<hbm>> -> memref<1x16384xf32, #tpu.memory_space<hbm>>
    %dma_wait3A_85 = tpu.memref_squeeze %dma_wait3A_84 : memref<1x16384xf32, #tpu.memory_space<hbm>> -> memref<16384xf32, #tpu.memory_space<hbm>>
    tpu.wait_dma2 semaphore(%arg7 : memref<!tpu.dma_semaphore, #tpu.memory_space<semaphore_mem>>) src(%dma_wait3A_85 : memref<16384xf32, #tpu.memory_space<hbm>>) dst(%dma_wait3A_82 : memref<16384xf32, #tpu.memory_space<vmem>>)
    %parallel_loop3A_86 = arith.constant 0 : i32
    %parallel_loop3A_87 = arith.constant 128 : i32
    %parallel_loop3A_88 = arith.constant 1 : i32
    %parallel_loop3A_89 = arith.constant 1 : i32
    %parallel_loop3A_90:16 = scf.for %parallel_loop3A_343 = %parallel_loop3A_86 to %parallel_loop3A_87 step %parallel_loop3A_88 iter_args(%parallel_loop3A_344 = %parallel_loop3A_72#0, %parallel_loop3A_345 = %parallel_loop3A_72#1, %parallel_loop3A_346 = %parallel_loop3A_72#2, %parallel_loop3A_347 = %parallel_loop3A_72#3, %parallel_loop3A_348 = %parallel_loop3A_72#4, %parallel_loop3A_349 = %parallel_loop3A_72#5, %parallel_loop3A_350 = %parallel_loop3A_72#6, %parallel_loop3A_351 = %parallel_loop3A_72#7, %parallel_loop3A_352 = %parallel_loop3A_72#8, %parallel_loop3A_353 = %parallel_loop3A_72#9, %parallel_loop3A_354 = %parallel_loop3A_72#10, %parallel_loop3A_355 = %parallel_loop3A_72#11, %parallel_loop3A_356 = %parallel_loop3A_72#12, %parallel_loop3A_357 = %parallel_loop3A_72#13, %parallel_loop3A_358 = %parallel_loop3A_72#14, %parallel_loop3A_359 = %parallel_loop3A_72#15) -> (vector<16xf32>, vector<16xf32>, vector<16xf32>, vector<16xf32>, vector<16xf32>, vector<16xf32>, vector<16xf32>, vector<16xf32>, vector<16xi32>, vector<16xi32>, vector<16xi32>, vector<16xi32>, vector<16xi32>, vector<16xi32>, vector<16xi32>, vector<16xi32>)  : i32 {
      %parallel_loop3A_360 = arith.constant 128 : i32
      %parallel_loop3A_361 = arith.muli %parallel_loop3A_343, %parallel_loop3A_360 : i32
      %parallel_loop3A_362 = arith.constant 128 : i32
      %parallel_loop3A_363 = arith.addi %parallel_loop3A_362, %parallel_loop3A_343 : i32
      %parallel_loop3A_364 = vector.broadcast %parallel_loop3A_363 : i32 to vector<16xi32>
      %parallel_loop3A_365 = arith.constant 0 : i32
      %parallel_loop3A_366 = arith.addi %parallel_loop3A_361, %parallel_loop3A_365 : i32
      %parallel_loop3A_367 = arith.constant 0 : i32
      %parallel_loop3A_368 = tpu.memref_slice %arg4[%parallel_loop3A_89, %parallel_loop3A_367] : memref<2x16384xf32, #tpu.memory_space<vmem>> -> memref<1x16384xf32, #tpu.memory_space<vmem>>
      %parallel_loop3A_369 = tpu.memref_squeeze %parallel_loop3A_368 : memref<1x16384xf32, #tpu.memory_space<vmem>> -> memref<16384xf32, #tpu.memory_space<vmem>>
      %parallel_loop3A_370 = arith.index_cast %parallel_loop3A_366 : i32 to index
      %parallel_loop3A_371 = tpu.vector_load %parallel_loop3A_369[%parallel_loop3A_370] {strides = array<i32>} : memref<16384xf32, #tpu.memory_space<vmem>>, vector<16xf32>,
      %parallel_loop3A_372 = vector.shape_cast %parallel_loop3A_371 : vector<16xf32> to vector<16xf32>
      %parallel_loop3A_373 = arith.cmpf ogt, %parallel_loop3A_372, %parallel_loop3A_344 : vector<16xf32>
      %parallel_loop3A_374 = arith.select %parallel_loop3A_373, %parallel_loop3A_372, %parallel_loop3A_344 : vector<16xi1>, vector<16xf32>
      %parallel_loop3A_375 = arith.select %parallel_loop3A_373, %parallel_loop3A_364, %parallel_loop3A_352 : vector<16xi1>, vector<16xi32>
      %parallel_loop3A_376 = arith.constant 16 : i32
      %parallel_loop3A_377 = arith.addi %parallel_loop3A_361, %parallel_loop3A_376 : i32
      %parallel_loop3A_378 = arith.constant 0 : i32
      %parallel_loop3A_379 = tpu.memref_slice %arg4[%parallel_loop3A_89, %parallel_loop3A_378] : memref<2x16384xf32, #tpu.memory_space<vmem>> -> memref<1x16384xf32, #tpu.memory_space<vmem>>
      %parallel_loop3A_380 = tpu.memref_squeeze %parallel_loop3A_379 : memref<1x16384xf32, #tpu.memory_space<vmem>> -> memref<16384xf32, #tpu.memory_space<vmem>>
      %parallel_loop3A_381 = arith.index_cast %parallel_loop3A_377 : i32 to index
      %parallel_loop3A_382 = tpu.vector_load %parallel_loop3A_380[%parallel_loop3A_381] {strides = array<i32>} : memref<16384xf32, #tpu.memory_space<vmem>>, vector<16xf32>,
      %parallel_loop3A_383 = vector.shape_cast %parallel_loop3A_382 : vector<16xf32> to vector<16xf32>
      %parallel_loop3A_384 = arith.cmpf ogt, %parallel_loop3A_383, %parallel_loop3A_345 : vector<16xf32>
      %parallel_loop3A_385 = arith.select %parallel_loop3A_384, %parallel_loop3A_383, %parallel_loop3A_345 : vector<16xi1>, vector<16xf32>
      %parallel_loop3A_386 = arith.select %parallel_loop3A_384, %parallel_loop3A_364, %parallel_loop3A_353 : vector<16xi1>, vector<16xi32>
      %parallel_loop3A_387 = arith.constant 32 : i32
      %parallel_loop3A_388 = arith.addi %parallel_loop3A_361, %parallel_loop3A_387 : i32
      %parallel_loop3A_389 = arith.constant 0 : i32
      %parallel_loop3A_390 = tpu.memref_slice %arg4[%parallel_loop3A_89, %parallel_loop3A_389] : memref<2x16384xf32, #tpu.memory_space<vmem>> -> memref<1x16384xf32, #tpu.memory_space<vmem>>
      %parallel_loop3A_391 = tpu.memref_squeeze %parallel_loop3A_390 : memref<1x16384xf32, #tpu.memory_space<vmem>> -> memref<16384xf32, #tpu.memory_space<vmem>>
      %parallel_loop3A_392 = arith.index_cast %parallel_loop3A_388 : i32 to index
      %parallel_loop3A_393 = tpu.vector_load %parallel_loop3A_391[%parallel_loop3A_392] {strides = array<i32>} : memref<16384xf32, #tpu.memory_space<vmem>>, vector<16xf32>,
      %parallel_loop3A_394 = vector.shape_cast %parallel_loop3A_393 : vector<16xf32> to vector<16xf32>
      %parallel_loop3A_395 = arith.cmpf ogt, %parallel_loop3A_394, %parallel_loop3A_346 : vector<16xf32>
      %parallel_loop3A_396 = arith.select %parallel_loop3A_395, %parallel_loop3A_394, %parallel_loop3A_346 : vector<16xi1>, vector<16xf32>
      %parallel_loop3A_397 = arith.select %parallel_loop3A_395, %parallel_loop3A_364, %parallel_loop3A_354 : vector<16xi1>, vector<16xi32>
      %parallel_loop3A_398 = arith.constant 48 : i32
      %parallel_loop3A_399 = arith.addi %parallel_loop3A_361, %parallel_loop3A_398 : i32
      %parallel_loop3A_400 = arith.constant 0 : i32
      %parallel_loop3A_401 = tpu.memref_slice %arg4[%parallel_loop3A_89, %parallel_loop3A_400] : memref<2x16384xf32, #tpu.memory_space<vmem>> -> memref<1x16384xf32, #tpu.memory_space<vmem>>
      %parallel_loop3A_402 = tpu.memref_squeeze %parallel_loop3A_401 : memref<1x16384xf32, #tpu.memory_space<vmem>> -> memref<16384xf32, #tpu.memory_space<vmem>>
      %parallel_loop3A_403 = arith.index_cast %parallel_loop3A_399 : i32 to index
      %parallel_loop3A_404 = tpu.vector_load %parallel_loop3A_402[%parallel_loop3A_403] {strides = array<i32>} : memref<16384xf32, #tpu.memory_space<vmem>>, vector<16xf32>,
      %parallel_loop3A_405 = vector.shape_cast %parallel_loop3A_404 : vector<16xf32> to vector<16xf32>
      %parallel_loop3A_406 = arith.cmpf ogt, %parallel_loop3A_405, %parallel_loop3A_347 : vector<16xf32>
      %parallel_loop3A_407 = arith.select %parallel_loop3A_406, %parallel_loop3A_405, %parallel_loop3A_347 : vector<16xi1>, vector<16xf32>
      %parallel_loop3A_408 = arith.select %parallel_loop3A_406, %parallel_loop3A_364, %parallel_loop3A_355 : vector<16xi1>, vector<16xi32>
      %parallel_loop3A_409 = arith.constant 64 : i32
      %parallel_loop3A_410 = arith.addi %parallel_loop3A_361, %parallel_loop3A_409 : i32
      %parallel_loop3A_411 = arith.constant 0 : i32
      %parallel_loop3A_412 = tpu.memref_slice %arg4[%parallel_loop3A_89, %parallel_loop3A_411] : memref<2x16384xf32, #tpu.memory_space<vmem>> -> memref<1x16384xf32, #tpu.memory_space<vmem>>
      %parallel_loop3A_413 = tpu.memref_squeeze %parallel_loop3A_412 : memref<1x16384xf32, #tpu.memory_space<vmem>> -> memref<16384xf32, #tpu.memory_space<vmem>>
      %parallel_loop3A_414 = arith.index_cast %parallel_loop3A_410 : i32 to index
      %parallel_loop3A_415 = tpu.vector_load %parallel_loop3A_413[%parallel_loop3A_414] {strides = array<i32>} : memref<16384xf32, #tpu.memory_space<vmem>>, vector<16xf32>,
      %parallel_loop3A_416 = vector.shape_cast %parallel_loop3A_415 : vector<16xf32> to vector<16xf32>
      %parallel_loop3A_417 = arith.cmpf ogt, %parallel_loop3A_416, %parallel_loop3A_348 : vector<16xf32>
      %parallel_loop3A_418 = arith.select %parallel_loop3A_417, %parallel_loop3A_416, %parallel_loop3A_348 : vector<16xi1>, vector<16xf32>
      %parallel_loop3A_419 = arith.select %parallel_loop3A_417, %parallel_loop3A_364, %parallel_loop3A_356 : vector<16xi1>, vector<16xi32>
      %parallel_loop3A_420 = arith.constant 80 : i32
      %parallel_loop3A_421 = arith.addi %parallel_loop3A_361, %parallel_loop3A_420 : i32
      %parallel_loop3A_422 = arith.constant 0 : i32
      %parallel_loop3A_423 = tpu.memref_slice %arg4[%parallel_loop3A_89, %parallel_loop3A_422] : memref<2x16384xf32, #tpu.memory_space<vmem>> -> memref<1x16384xf32, #tpu.memory_space<vmem>>
      %parallel_loop3A_424 = tpu.memref_squeeze %parallel_loop3A_423 : memref<1x16384xf32, #tpu.memory_space<vmem>> -> memref<16384xf32, #tpu.memory_space<vmem>>
      %parallel_loop3A_425 = arith.index_cast %parallel_loop3A_421 : i32 to index
      %parallel_loop3A_426 = tpu.vector_load %parallel_loop3A_424[%parallel_loop3A_425] {strides = array<i32>} : memref<16384xf32, #tpu.memory_space<vmem>>, vector<16xf32>,
      %parallel_loop3A_427 = vector.shape_cast %parallel_loop3A_426 : vector<16xf32> to vector<16xf32>
      %parallel_loop3A_428 = arith.cmpf ogt, %parallel_loop3A_427, %parallel_loop3A_349 : vector<16xf32>
      %parallel_loop3A_429 = arith.select %parallel_loop3A_428, %parallel_loop3A_427, %parallel_loop3A_349 : vector<16xi1>, vector<16xf32>
      %parallel_loop3A_430 = arith.select %parallel_loop3A_428, %parallel_loop3A_364, %parallel_loop3A_357 : vector<16xi1>, vector<16xi32>
      %parallel_loop3A_431 = arith.constant 96 : i32
      %parallel_loop3A_432 = arith.addi %parallel_loop3A_361, %parallel_loop3A_431 : i32
      %parallel_loop3A_433 = arith.constant 0 : i32
      %parallel_loop3A_434 = tpu.memref_slice %arg4[%parallel_loop3A_89, %parallel_loop3A_433] : memref<2x16384xf32, #tpu.memory_space<vmem>> -> memref<1x16384xf32, #tpu.memory_space<vmem>>
      %parallel_loop3A_435 = tpu.memref_squeeze %parallel_loop3A_434 : memref<1x16384xf32, #tpu.memory_space<vmem>> -> memref<16384xf32, #tpu.memory_space<vmem>>
      %parallel_loop3A_436 = arith.index_cast %parallel_loop3A_432 : i32 to index
      %parallel_loop3A_437 = tpu.vector_load %parallel_loop3A_435[%parallel_loop3A_436] {strides = array<i32>} : memref<16384xf32, #tpu.memory_space<vmem>>, vector<16xf32>,
      %parallel_loop3A_438 = vector.shape_cast %parallel_loop3A_437 : vector<16xf32> to vector<16xf32>
      %parallel_loop3A_439 = arith.cmpf ogt, %parallel_loop3A_438, %parallel_loop3A_350 : vector<16xf32>
      %parallel_loop3A_440 = arith.select %parallel_loop3A_439, %parallel_loop3A_438, %parallel_loop3A_350 : vector<16xi1>, vector<16xf32>
      %parallel_loop3A_441 = arith.select %parallel_loop3A_439, %parallel_loop3A_364, %parallel_loop3A_358 : vector<16xi1>, vector<16xi32>
      %parallel_loop3A_442 = arith.constant 112 : i32
      %parallel_loop3A_443 = arith.addi %parallel_loop3A_361, %parallel_loop3A_442 : i32
      %parallel_loop3A_444 = arith.constant 0 : i32
      %parallel_loop3A_445 = tpu.memref_slice %arg4[%parallel_loop3A_89, %parallel_loop3A_444] : memref<2x16384xf32, #tpu.memory_space<vmem>> -> memref<1x16384xf32, #tpu.memory_space<vmem>>
      %parallel_loop3A_446 = tpu.memref_squeeze %parallel_loop3A_445 : memref<1x16384xf32, #tpu.memory_space<vmem>> -> memref<16384xf32, #tpu.memory_space<vmem>>
      %parallel_loop3A_447 = arith.index_cast %parallel_loop3A_443 : i32 to index
      %parallel_loop3A_448 = tpu.vector_load %parallel_loop3A_446[%parallel_loop3A_447] {strides = array<i32>} : memref<16384xf32, #tpu.memory_space<vmem>>, vector<16xf32>,
      %parallel_loop3A_449 = vector.shape_cast %parallel_loop3A_448 : vector<16xf32> to vector<16xf32>
      %parallel_loop3A_450 = arith.cmpf ogt, %parallel_loop3A_449, %parallel_loop3A_351 : vector<16xf32>
      %parallel_loop3A_451 = arith.select %parallel_loop3A_450, %parallel_loop3A_449, %parallel_loop3A_351 : vector<16xi1>, vector<16xf32>
      %parallel_loop3A_452 = arith.select %parallel_loop3A_450, %parallel_loop3A_364, %parallel_loop3A_359 : vector<16xi1>, vector<16xi32>
      scf.yield %parallel_loop3A_374, %parallel_loop3A_385, %parallel_loop3A_396, %parallel_loop3A_407, %parallel_loop3A_418, %parallel_loop3A_429, %parallel_loop3A_440, %parallel_loop3A_451, %parallel_loop3A_375, %parallel_loop3A_386, %parallel_loop3A_397, %parallel_loop3A_408, %parallel_loop3A_419, %parallel_loop3A_430, %parallel_loop3A_441, %parallel_loop3A_452 : vector<16xf32>, vector<16xf32>, vector<16xf32>, vector<16xf32>, vector<16xf32>, vector<16xf32>, vector<16xf32>, vector<16xf32>, vector<16xi32>, vector<16xi32>, vector<16xi32>, vector<16xi32>, vector<16xi32>, vector<16xi32>, vector<16xi32>, vector<16xi32>
    } {sc.loop_unroll_factor = 4 : i64, sc.parallel_access}
    %mul3A_91 = arith.constant 8 : i32
    %mul3A_92 = vector.broadcast %mul3A_91 : i32 to vector<16xi32>
    %mul3A_93 = arith.muli %parallel_loop3A_90#8, %mul3A_92 : vector<16xi32>
    %add3A_94 = arith.constant 0 : i32
    %add3A_95 = vector.broadcast %add3A_94 : i32 to vector<16xi32>
    %add3A_96 = arith.addi %mul3A_93, %add3A_95 : vector<16xi32>
    %mul3A_97 = arith.constant 16 : i32
    %mul3A_98 = vector.broadcast %mul3A_97 : i32 to vector<16xi32>
    %mul3A_99 = arith.muli %add3A_96, %mul3A_98 : vector<16xi32>
    %add3A_100 = arith.addi %mul3A_99, %iota3A : vector<16xi32>
    %mul3A_101 = arith.constant 8 : i32
    %mul3A_102 = vector.broadcast %mul3A_101 : i32 to vector<16xi32>
    %mul3A_103 = arith.muli %parallel_loop3A_90#9, %mul3A_102 : vector<16xi32>
    %add3A_104 = arith.constant 1 : i32
    %add3A_105 = vector.broadcast %add3A_104 : i32 to vector<16xi32>
    %add3A_106 = arith.addi %mul3A_103, %add3A_105 : vector<16xi32>
    %mul3A_107 = arith.constant 16 : i32
    %mul3A_108 = vector.broadcast %mul3A_107 : i32 to vector<16xi32>
    %mul3A_109 = arith.muli %add3A_106, %mul3A_108 : vector<16xi32>
    %add3A_110 = arith.addi %mul3A_109, %iota3A : vector<16xi32>
    %mul3A_111 = arith.constant 8 : i32
    %mul3A_112 = vector.broadcast %mul3A_111 : i32 to vector<16xi32>
    %mul3A_113 = arith.muli %parallel_loop3A_90#10, %mul3A_112 : vector<16xi32>
    %add3A_114 = arith.constant 2 : i32
    %add3A_115 = vector.broadcast %add3A_114 : i32 to vector<16xi32>
    %add3A_116 = arith.addi %mul3A_113, %add3A_115 : vector<16xi32>
    %mul3A_117 = arith.constant 16 : i32
    %mul3A_118 = vector.broadcast %mul3A_117 : i32 to vector<16xi32>
    %mul3A_119 = arith.muli %add3A_116, %mul3A_118 : vector<16xi32>
    %add3A_120 = arith.addi %mul3A_119, %iota3A : vector<16xi32>
    %mul3A_121 = arith.constant 8 : i32
    %mul3A_122 = vector.broadcast %mul3A_121 : i32 to vector<16xi32>
    %mul3A_123 = arith.muli %parallel_loop3A_90#11, %mul3A_122 : vector<16xi32>
    %add3A_124 = arith.constant 3 : i32
    %add3A_125 = vector.broadcast %add3A_124 : i32 to vector<16xi32>
    %add3A_126 = arith.addi %mul3A_123, %add3A_125 : vector<16xi32>
    %mul3A_127 = arith.constant 16 : i32
    %mul3A_128 = vector.broadcast %mul3A_127 : i32 to vector<16xi32>
    %mul3A_129 = arith.muli %add3A_126, %mul3A_128 : vector<16xi32>
    %add3A_130 = arith.addi %mul3A_129, %iota3A : vector<16xi32>
    %mul3A_131 = arith.constant 8 : i32
    %mul3A_132 = vector.broadcast %mul3A_131 : i32 to vector<16xi32>
    %mul3A_133 = arith.muli %parallel_loop3A_90#12, %mul3A_132 : vector<16xi32>
    %add3A_134 = arith.constant 4 : i32
    %add3A_135 = vector.broadcast %add3A_134 : i32 to vector<16xi32>
    %add3A_136 = arith.addi %mul3A_133, %add3A_135 : vector<16xi32>
    %mul3A_137 = arith.constant 16 : i32
    %mul3A_138 = vector.broadcast %mul3A_137 : i32 to vector<16xi32>
    %mul3A_139 = arith.muli %add3A_136, %mul3A_138 : vector<16xi32>
    %add3A_140 = arith.addi %mul3A_139, %iota3A : vector<16xi32>
    %mul3A_141 = arith.constant 8 : i32
    %mul3A_142 = vector.broadcast %mul3A_141 : i32 to vector<16xi32>
    %mul3A_143 = arith.muli %parallel_loop3A_90#13, %mul3A_142 : vector<16xi32>
    %add3A_144 = arith.constant 5 : i32
    %add3A_145 = vector.broadcast %add3A_144 : i32 to vector<16xi32>
    %add3A_146 = arith.addi %mul3A_143, %add3A_145 : vector<16xi32>
    %mul3A_147 = arith.constant 16 : i32
    %mul3A_148 = vector.broadcast %mul3A_147 : i32 to vector<16xi32>
    %mul3A_149 = arith.muli %add3A_146, %mul3A_148 : vector<16xi32>
    %add3A_150 = arith.addi %mul3A_149, %iota3A : vector<16xi32>
    %mul3A_151 = arith.constant 8 : i32
    %mul3A_152 = vector.broadcast %mul3A_151 : i32 to vector<16xi32>
    %mul3A_153 = arith.muli %parallel_loop3A_90#14, %mul3A_152 : vector<16xi32>
    %add3A_154 = arith.constant 6 : i32
    %add3A_155 = vector.broadcast %add3A_154 : i32 to vector<16xi32>
    %add3A_156 = arith.addi %mul3A_153, %add3A_155 : vector<16xi32>
    %mul3A_157 = arith.constant 16 : i32
    %mul3A_158 = vector.broadcast %mul3A_157 : i32 to vector<16xi32>
    %mul3A_159 = arith.muli %add3A_156, %mul3A_158 : vector<16xi32>
    %add3A_160 = arith.addi %mul3A_159, %iota3A : vector<16xi32>
    %mul3A_161 = arith.constant 8 : i32
    %mul3A_162 = vector.broadcast %mul3A_161 : i32 to vector<16xi32>
    %mul3A_163 = arith.muli %parallel_loop3A_90#15, %mul3A_162 : vector<16xi32>
    %add3A_164 = arith.constant 7 : i32
    %add3A_165 = vector.broadcast %add3A_164 : i32 to vector<16xi32>
    %add3A_166 = arith.addi %mul3A_163, %add3A_165 : vector<16xi32>
    %mul3A_167 = arith.constant 16 : i32
    %mul3A_168 = vector.broadcast %mul3A_167 : i32 to vector<16xi32>
    %mul3A_169 = arith.muli %add3A_166, %mul3A_168 : vector<16xi32>
    %add3A_170 = arith.addi %mul3A_169, %iota3A : vector<16xi32>
    %gt3A = arith.cmpf ogt, %parallel_loop3A_90#0, %parallel_loop3A_90#1 : vector<16xf32>
    %eq3A = arith.cmpf oeq, %parallel_loop3A_90#0, %parallel_loop3A_90#1 : vector<16xf32>
    %lt3A = arith.cmpi slt, %add3A_100, %add3A_110 : vector<16xi32>
    %and3A = arith.andi %eq3A, %lt3A : vector<16xi1>
    %or3A = arith.ori %gt3A, %and3A : vector<16xi1>
    %select_n3A = arith.select %or3A, %parallel_loop3A_90#0, %parallel_loop3A_90#1 : vector<16xi1>, vector<16xf32>
    %select_n3A_171 = arith.select %or3A, %add3A_100, %add3A_110 : vector<16xi1>, vector<16xi32>
    %gt3A_172 = arith.cmpf ogt, %parallel_loop3A_90#2, %parallel_loop3A_90#3 : vector<16xf32>
    %eq3A_173 = arith.cmpf oeq, %parallel_loop3A_90#2, %parallel_loop3A_90#3 : vector<16xf32>
    %lt3A_174 = arith.cmpi slt, %add3A_120, %add3A_130 : vector<16xi32>
    %and3A_175 = arith.andi %eq3A_173, %lt3A_174 : vector<16xi1>
    %or3A_176 = arith.ori %gt3A_172, %and3A_175 : vector<16xi1>
    %select_n3A_177 = arith.select %or3A_176, %parallel_loop3A_90#2, %parallel_loop3A_90#3 : vector<16xi1>, vector<16xf32>
    %select_n3A_178 = arith.select %or3A_176, %add3A_120, %add3A_130 : vector<16xi1>, vector<16xi32>
    %gt3A_179 = arith.cmpf ogt, %parallel_loop3A_90#4, %parallel_loop3A_90#5 : vector<16xf32>
    %eq3A_180 = arith.cmpf oeq, %parallel_loop3A_90#4, %parallel_loop3A_90#5 : vector<16xf32>
    %lt3A_181 = arith.cmpi slt, %add3A_140, %add3A_150 : vector<16xi32>
    %and3A_182 = arith.andi %eq3A_180, %lt3A_181 : vector<16xi1>
    %or3A_183 = arith.ori %gt3A_179, %and3A_182 : vector<16xi1>
    %select_n3A_184 = arith.select %or3A_183, %parallel_loop3A_90#4, %parallel_loop3A_90#5 : vector<16xi1>, vector<16xf32>
    %select_n3A_185 = arith.select %or3A_183, %add3A_140, %add3A_150 : vector<16xi1>, vector<16xi32>
    %gt3A_186 = arith.cmpf ogt, %parallel_loop3A_90#6, %parallel_loop3A_90#7 : vector<16xf32>
    %eq3A_187 = arith.cmpf oeq, %parallel_loop3A_90#6, %parallel_loop3A_90#7 : vector<16xf32>
    %lt3A_188 = arith.cmpi slt, %add3A_160, %add3A_170 : vector<16xi32>
    %and3A_189 = arith.andi %eq3A_187, %lt3A_188 : vector<16xi1>
    %or3A_190 = arith.ori %gt3A_186, %and3A_189 : vector<16xi1>
    %select_n3A_191 = arith.select %or3A_190, %parallel_loop3A_90#6, %parallel_loop3A_90#7 : vector<16xi1>, vector<16xf32>
    %select_n3A_192 = arith.select %or3A_190, %add3A_160, %add3A_170 : vector<16xi1>, vector<16xi32>
    %gt3A_193 = arith.cmpf ogt, %select_n3A, %select_n3A_177 : vector<16xf32>
    %eq3A_194 = arith.cmpf oeq, %select_n3A, %select_n3A_177 : vector<16xf32>
    %lt3A_195 = arith.cmpi slt, %select_n3A_171, %select_n3A_178 : vector<16xi32>
    %and3A_196 = arith.andi %eq3A_194, %lt3A_195 : vector<16xi1>
    %or3A_197 = arith.ori %gt3A_193, %and3A_196 : vector<16xi1>
    %select_n3A_198 = arith.select %or3A_197, %select_n3A, %select_n3A_177 : vector<16xi1>, vector<16xf32>
    %select_n3A_199 = arith.select %or3A_197, %select_n3A_171, %select_n3A_178 : vector<16xi1>, vector<16xi32>
    %gt3A_200 = arith.cmpf ogt, %select_n3A_184, %select_n3A_191 : vector<16xf32>
    %eq3A_201 = arith.cmpf oeq, %select_n3A_184, %select_n3A_191 : vector<16xf32>
    %lt3A_202 = arith.cmpi slt, %select_n3A_185, %select_n3A_192 : vector<16xi32>
    %and3A_203 = arith.andi %eq3A_201, %lt3A_202 : vector<16xi1>
    %or3A_204 = arith.ori %gt3A_200, %and3A_203 : vector<16xi1>
    %select_n3A_205 = arith.select %or3A_204, %select_n3A_184, %select_n3A_191 : vector<16xi1>, vector<16xf32>
    %select_n3A_206 = arith.select %or3A_204, %select_n3A_185, %select_n3A_192 : vector<16xi1>, vector<16xi32>
    %gt3A_207 = arith.cmpf ogt, %select_n3A_198, %select_n3A_205 : vector<16xf32>
    %eq3A_208 = arith.cmpf oeq, %select_n3A_198, %select_n3A_205 : vector<16xf32>
    %lt3A_209 = arith.cmpi slt, %select_n3A_199, %select_n3A_206 : vector<16xi32>
    %and3A_210 = arith.andi %eq3A_208, %lt3A_209 : vector<16xi1>
    %or3A_211 = arith.ori %gt3A_207, %and3A_210 : vector<16xi1>
    %select_n3A_212 = arith.select %or3A_211, %select_n3A_198, %select_n3A_205 : vector<16xi1>, vector<16xf32>
    %select_n3A_213 = arith.select %or3A_211, %select_n3A_199, %select_n3A_206 : vector<16xi1>, vector<16xi32>
    %iota3A_214 = tpu.iota {dimensions = array<i32: 0>} : vector<16xi32>
    %xor3A = arith.constant 1 : i32
    %xor3A_215 = vector.broadcast %xor3A : i32 to vector<16xi32>
    %xor3A_216 = arith.xori %iota3A_214, %xor3A_215 : vector<16xi32>
    %lt3A_217 = arith.constant 0 : i32
    %lt3A_218 = vector.broadcast %lt3A_217 : i32 to vector<16xi32>
    %lt3A_219 = arith.cmpi slt, %xor3A_216, %lt3A_218 : vector<16xi32>
    %add3A_220 = arith.constant 16 : i32
    %add3A_221 = vector.broadcast %add3A_220 : i32 to vector<16xi32>
    %add3A_222 = arith.addi %xor3A_216, %add3A_221 : vector<16xi32>
    %select_n3A_223 = arith.select %lt3A_219, %add3A_222, %xor3A_216 : vector<16xi1>, vector<16xi32>
    %broadcast_in_dim3A_224 = vector.shape_cast %select_n3A_223 : vector<16xi32> to vector<16x1xi32>
    %gather3A = vector.shape_cast %broadcast_in_dim3A_224 : vector<16x1xi32> to vector<16xi32>
    %gather3A_225 = tpu.dynamic_gather %select_n3A_212[%gather3A] in [0] : vector<16xf32>, vector<16xi32> -> vector<16xf32>
    %max3A = arith.maximumf %select_n3A_212, %gather3A_225 : vector<16xf32>
    %iota3A_226 = tpu.iota {dimensions = array<i32: 0>} : vector<16xi32>
    %xor3A_227 = arith.constant 2 : i32
    %xor3A_228 = vector.broadcast %xor3A_227 : i32 to vector<16xi32>
    %xor3A_229 = arith.xori %iota3A_226, %xor3A_228 : vector<16xi32>
    %lt3A_230 = arith.constant 0 : i32
    %lt3A_231 = vector.broadcast %lt3A_230 : i32 to vector<16xi32>
    %lt3A_232 = arith.cmpi slt, %xor3A_229, %lt3A_231 : vector<16xi32>
    %add3A_233 = arith.constant 16 : i32
    %add3A_234 = vector.broadcast %add3A_233 : i32 to vector<16xi32>
    %add3A_235 = arith.addi %xor3A_229, %add3A_234 : vector<16xi32>
    %select_n3A_236 = arith.select %lt3A_232, %add3A_235, %xor3A_229 : vector<16xi1>, vector<16xi32>
    %broadcast_in_dim3A_237 = vector.shape_cast %select_n3A_236 : vector<16xi32> to vector<16x1xi32>
    %gather3A_238 = vector.shape_cast %broadcast_in_dim3A_237 : vector<16x1xi32> to vector<16xi32>
    %gather3A_239 = tpu.dynamic_gather %max3A[%gather3A_238] in [0] : vector<16xf32>, vector<16xi32> -> vector<16xf32>
    %max3A_240 = arith.maximumf %max3A, %gather3A_239 : vector<16xf32>
    %iota3A_241 = tpu.iota {dimensions = array<i32: 0>} : vector<16xi32>
    %xor3A_242 = arith.constant 4 : i32
    %xor3A_243 = vector.broadcast %xor3A_242 : i32 to vector<16xi32>
    %xor3A_244 = arith.xori %iota3A_241, %xor3A_243 : vector<16xi32>
    %lt3A_245 = arith.constant 0 : i32
    %lt3A_246 = vector.broadcast %lt3A_245 : i32 to vector<16xi32>
    %lt3A_247 = arith.cmpi slt, %xor3A_244, %lt3A_246 : vector<16xi32>
    %add3A_248 = arith.constant 16 : i32
    %add3A_249 = vector.broadcast %add3A_248 : i32 to vector<16xi32>
    %add3A_250 = arith.addi %xor3A_244, %add3A_249 : vector<16xi32>
    %select_n3A_251 = arith.select %lt3A_247, %add3A_250, %xor3A_244 : vector<16xi1>, vector<16xi32>
    %broadcast_in_dim3A_252 = vector.shape_cast %select_n3A_251 : vector<16xi32> to vector<16x1xi32>
    %gather3A_253 = vector.shape_cast %broadcast_in_dim3A_252 : vector<16x1xi32> to vector<16xi32>
    %gather3A_254 = tpu.dynamic_gather %max3A_240[%gather3A_253] in [0] : vector<16xf32>, vector<16xi32> -> vector<16xf32>
    %max3A_255 = arith.maximumf %max3A_240, %gather3A_254 : vector<16xf32>
    %iota3A_256 = tpu.iota {dimensions = array<i32: 0>} : vector<16xi32>
    %xor3A_257 = arith.constant 8 : i32
    %xor3A_258 = vector.broadcast %xor3A_257 : i32 to vector<16xi32>
    %xor3A_259 = arith.xori %iota3A_256, %xor3A_258 : vector<16xi32>
    %lt3A_260 = arith.constant 0 : i32
    %lt3A_261 = vector.broadcast %lt3A_260 : i32 to vector<16xi32>
    %lt3A_262 = arith.cmpi slt, %xor3A_259, %lt3A_261 : vector<16xi32>
    %add3A_263 = arith.constant 16 : i32
    %add3A_264 = vector.broadcast %add3A_263 : i32 to vector<16xi32>
    %add3A_265 = arith.addi %xor3A_259, %add3A_264 : vector<16xi32>
    %select_n3A_266 = arith.select %lt3A_262, %add3A_265, %xor3A_259 : vector<16xi1>, vector<16xi32>
    %broadcast_in_dim3A_267 = vector.shape_cast %select_n3A_266 : vector<16xi32> to vector<16x1xi32>
    %gather3A_268 = vector.shape_cast %broadcast_in_dim3A_267 : vector<16x1xi32> to vector<16xi32>
    %gather3A_269 = tpu.dynamic_gather %max3A_255[%gather3A_268] in [0] : vector<16xf32>, vector<16xi32> -> vector<16xf32>
    %max3A_270 = arith.maximumf %max3A_255, %gather3A_269 : vector<16xf32>
    %eq3A_271 = arith.cmpf oeq, %select_n3A_212, %max3A_270 : vector<16xf32>
    %broadcast_in_dim3A_272 = arith.constant 32768 : i32
    %broadcast_in_dim3A_273 = vector.broadcast %broadcast_in_dim3A_272 : i32 to vector<16xi32>
    %select_n3A_274 = arith.select %eq3A_271, %select_n3A_213, %broadcast_in_dim3A_273 : vector<16xi1>, vector<16xi32>
    %iota3A_275 = tpu.iota {dimensions = array<i32: 0>} : vector<16xi32>
    %xor3A_276 = arith.constant 1 : i32
    %xor3A_277 = vector.broadcast %xor3A_276 : i32 to vector<16xi32>
    %xor3A_278 = arith.xori %iota3A_275, %xor3A_277 : vector<16xi32>
    %lt3A_279 = arith.constant 0 : i32
    %lt3A_280 = vector.broadcast %lt3A_279 : i32 to vector<16xi32>
    %lt3A_281 = arith.cmpi slt, %xor3A_278, %lt3A_280 : vector<16xi32>
    %add3A_282 = arith.constant 16 : i32
    %add3A_283 = vector.broadcast %add3A_282 : i32 to vector<16xi32>
    %add3A_284 = arith.addi %xor3A_278, %add3A_283 : vector<16xi32>
    %select_n3A_285 = arith.select %lt3A_281, %add3A_284, %xor3A_278 : vector<16xi1>, vector<16xi32>
    %broadcast_in_dim3A_286 = vector.shape_cast %select_n3A_285 : vector<16xi32> to vector<16x1xi32>
    %gather3A_287 = vector.shape_cast %broadcast_in_dim3A_286 : vector<16x1xi32> to vector<16xi32>
    %gather3A_288 = tpu.dynamic_gather %select_n3A_274[%gather3A_287] in [0] : vector<16xi32>, vector<16xi32> -> vector<16xi32>
    %min3A = arith.minsi %select_n3A_274, %gather3A_288 : vector<16xi32>
    %iota3A_289 = tpu.iota {dimensions = array<i32: 0>} : vector<16xi32>
    %xor3A_290 = arith.constant 2 : i32
    %xor3A_291 = vector.broadcast %xor3A_290 : i32 to vector<16xi32>
    %xor3A_292 = arith.xori %iota3A_289, %xor3A_291 : vector<16xi32>
    %lt3A_293 = arith.constant 0 : i32
    %lt3A_294 = vector.broadcast %lt3A_293 : i32 to vector<16xi32>
    %lt3A_295 = arith.cmpi slt, %xor3A_292, %lt3A_294 : vector<16xi32>
    %add3A_296 = arith.constant 16 : i32
    %add3A_297 = vector.broadcast %add3A_296 : i32 to vector<16xi32>
    %add3A_298 = arith.addi %xor3A_292, %add3A_297 : vector<16xi32>
    %select_n3A_299 = arith.select %lt3A_295, %add3A_298, %xor3A_292 : vector<16xi1>, vector<16xi32>
    %broadcast_in_dim3A_300 = vector.shape_cast %select_n3A_299 : vector<16xi32> to vector<16x1xi32>
    %gather3A_301 = vector.shape_cast %broadcast_in_dim3A_300 : vector<16x1xi32> to vector<16xi32>
    %gather3A_302 = tpu.dynamic_gather %min3A[%gather3A_301] in [0] : vector<16xi32>, vector<16xi32> -> vector<16xi32>
    %min3A_303 = arith.minsi %min3A, %gather3A_302 : vector<16xi32>
    %iota3A_304 = tpu.iota {dimensions = array<i32: 0>} : vector<16xi32>
    %xor3A_305 = arith.constant 4 : i32
    %xor3A_306 = vector.broadcast %xor3A_305 : i32 to vector<16xi32>
    %xor3A_307 = arith.xori %iota3A_304, %xor3A_306 : vector<16xi32>
    %lt3A_308 = arith.constant 0 : i32
    %lt3A_309 = vector.broadcast %lt3A_308 : i32 to vector<16xi32>
    %lt3A_310 = arith.cmpi slt, %xor3A_307, %lt3A_309 : vector<16xi32>
    %add3A_311 = arith.constant 16 : i32
    %add3A_312 = vector.broadcast %add3A_311 : i32 to vector<16xi32>
    %add3A_313 = arith.addi %xor3A_307, %add3A_312 : vector<16xi32>
    %select_n3A_314 = arith.select %lt3A_310, %add3A_313, %xor3A_307 : vector<16xi1>, vector<16xi32>
    %broadcast_in_dim3A_315 = vector.shape_cast %select_n3A_314 : vector<16xi32> to vector<16x1xi32>
    %gather3A_316 = vector.shape_cast %broadcast_in_dim3A_315 : vector<16x1xi32> to vector<16xi32>
    %gather3A_317 = tpu.dynamic_gather %min3A_303[%gather3A_316] in [0] : vector<16xi32>, vector<16xi32> -> vector<16xi32>
    %min3A_318 = arith.minsi %min3A_303, %gather3A_317 : vector<16xi32>
    %iota3A_319 = tpu.iota {dimensions = array<i32: 0>} : vector<16xi32>
    %xor3A_320 = arith.constant 8 : i32
    %xor3A_321 = vector.broadcast %xor3A_320 : i32 to vector<16xi32>
    %xor3A_322 = arith.xori %iota3A_319, %xor3A_321 : vector<16xi32>
    %lt3A_323 = arith.constant 0 : i32
    %lt3A_324 = vector.broadcast %lt3A_323 : i32 to vector<16xi32>
    %lt3A_325 = arith.cmpi slt, %xor3A_322, %lt3A_324 : vector<16xi32>
    %add3A_326 = arith.constant 16 : i32
    %add3A_327 = vector.broadcast %add3A_326 : i32 to vector<16xi32>
    %add3A_328 = arith.addi %xor3A_322, %add3A_327 : vector<16xi32>
    %select_n3A_329 = arith.select %lt3A_325, %add3A_328, %xor3A_322 : vector<16xi1>, vector<16xi32>
    %broadcast_in_dim3A_330 = vector.shape_cast %select_n3A_329 : vector<16xi32> to vector<16x1xi32>
    %gather3A_331 = vector.shape_cast %broadcast_in_dim3A_330 : vector<16x1xi32> to vector<16xi32>
    %gather3A_332 = tpu.dynamic_gather %min3A_318[%gather3A_331] in [0] : vector<16xi32>, vector<16xi32> -> vector<16xi32>
    %min3A_333 = arith.minsi %min3A_318, %gather3A_332 : vector<16xi32>
    %eq3A_334 = arith.constant 0 : i32
    %eq3A_335 = vector.broadcast %eq3A_334 : i32 to vector<16xi32>
    %eq3A_336 = arith.cmpi eq, %iota3A, %eq3A_335 : vector<16xi32>
    %broadcast_in_dim3A_337 = arith.constant 0 : i32
    %broadcast_in_dim3A_338 = vector.broadcast %broadcast_in_dim3A_337 : i32 to vector<16xi32>
    %select_n3A_339 = arith.select %eq3A_336, %min3A_333, %broadcast_in_dim3A_338 : vector<16xi1>, vector<16xi32>
    %swap3A = arith.constant 0 : index
    %swap3A_340 = tpu.vector_load %arg5[%swap3A] {strides = array<i32>} : memref<16xi32, #tpu.memory_space<vmem>>, vector<16xi32>,
    %swap3A_341 = vector.shape_cast %swap3A_340 : vector<16xi32> to vector<16xi32>
    %swap3A_342 = vector.shape_cast %select_n3A_339 : vector<16xi32> to vector<16xi32>
    tpu.vector_store %arg5[%swap3A], %swap3A_342 {strides = array<i32>} : memref<16xi32, #tpu.memory_space<vmem>>, vector<16xi32>,
    "tpu.region"() ({
      %run_scoped3A = tpu.sem_alloc : memref<!tpu.dma_semaphore, #tpu.memory_space<semaphore_mem>>
      %dma_start3A_343 = arith.constant 0 : i32
      %dma_start3A_344 = tpu.memref_slice %arg3[%add3A, %dma_start3A_343] : memref<32x128xi32, #tpu.memory_space<hbm>> -> memref<1x16xi32, #tpu.memory_space<hbm>>
      %dma_start3A_345 = tpu.memref_squeeze %dma_start3A_344 : memref<1x16xi32, #tpu.memory_space<hbm>> -> memref<16xi32, #tpu.memory_space<hbm>>
      %dma_start3A_346 = arith.constant 0 : i32
      %dma_start3A_347 = tpu.memref_slice %arg3[%add3A, %dma_start3A_346] : memref<32x128xi32, #tpu.memory_space<hbm>> -> memref<1x16xi32, #tpu.memory_space<hbm>>
      %dma_start3A_348 = tpu.memref_squeeze %dma_start3A_347 : memref<1x16xi32, #tpu.memory_space<hbm>> -> memref<16xi32, #tpu.memory_space<hbm>>
      tpu.enqueue_dma source(%arg5 : memref<16xi32, #tpu.memory_space<vmem>>) target(%dma_start3A_348 : memref<16xi32, #tpu.memory_space<hbm>>) target_semaphore(%run_scoped3A : memref<!tpu.dma_semaphore, #tpu.memory_space<semaphore_mem>>)
      %dma_wait3A_349 = arith.constant 0 : i32
      %dma_wait3A_350 = tpu.memref_slice %arg3[%add3A, %dma_wait3A_349] : memref<32x128xi32, #tpu.memory_space<hbm>> -> memref<1x16xi32, #tpu.memory_space<hbm>>
      %dma_wait3A_351 = tpu.memref_squeeze %dma_wait3A_350 : memref<1x16xi32, #tpu.memory_space<hbm>> -> memref<16xi32, #tpu.memory_space<hbm>>
      %dma_wait3A_352 = arith.constant 0 : i32
      %dma_wait3A_353 = tpu.memref_slice %arg3[%add3A, %dma_wait3A_352] : memref<32x128xi32, #tpu.memory_space<hbm>> -> memref<1x16xi32, #tpu.memory_space<hbm>>
      %dma_wait3A_354 = tpu.memref_squeeze %dma_wait3A_353 : memref<1x16xi32, #tpu.memory_space<hbm>> -> memref<16xi32, #tpu.memory_space<hbm>>
      tpu.wait_dma2 semaphore(%run_scoped3A : memref<!tpu.dma_semaphore, #tpu.memory_space<semaphore_mem>>) src(%arg5 : memref<16xi32, #tpu.memory_space<vmem>>) dst(%dma_wait3A_354 : memref<16xi32, #tpu.memory_space<hbm>>)
      tpu.yield
    }) : () -> ()
    return
  }
}

module attributes {stable_mosaic.version = 14 : i64} {
  func.func @_argmax_rows_tc_body(%arg0: i32, %arg1: memref<32x32768xf32, #tpu.memory_space<vmem>>, %arg2: memref<32x128xi32, #tpu.memory_space<vmem>>) attributes {dimension_semantics = [#tpu.dimension_semantics<arbitrary>], iteration_bounds = array<i64: 3>, scalar_prefetch = 0 : i64, scratch_operands = 0 : i64, tpu.core_type = #tpu.core_type<tc>, window_params = [{transform_indices = @transform_0, window_bounds = array<i64: 32, 32768>}, {transform_indices = @transform_1, window_bounds = array<i64: 32, 128>}]} {
    %iota3A = tpu.iota {dimensions = array<i32: 1>} : vector<32x128xi32>
    %broadcast_in_dim3A = arith.constant 0xFF800000 : f32
    %broadcast_in_dim3A_0 = vector.broadcast %broadcast_in_dim3A : f32 to vector<32x128xf32>
    %broadcast_in_dim3A_1 = arith.constant 0xFF800000 : f32
    %broadcast_in_dim3A_2 = vector.broadcast %broadcast_in_dim3A_1 : f32 to vector<32x128xf32>
    %broadcast_in_dim3A_3 = arith.constant 0xFF800000 : f32
    %broadcast_in_dim3A_4 = vector.broadcast %broadcast_in_dim3A_3 : f32 to vector<32x128xf32>
    %broadcast_in_dim3A_5 = arith.constant 0xFF800000 : f32
    %broadcast_in_dim3A_6 = vector.broadcast %broadcast_in_dim3A_5 : f32 to vector<32x128xf32>
    %broadcast_in_dim3A_7 = arith.constant 0xFF800000 : f32
    %broadcast_in_dim3A_8 = vector.broadcast %broadcast_in_dim3A_7 : f32 to vector<32x128xf32>
    %broadcast_in_dim3A_9 = arith.constant 0xFF800000 : f32
    %broadcast_in_dim3A_10 = vector.broadcast %broadcast_in_dim3A_9 : f32 to vector<32x128xf32>
    %broadcast_in_dim3A_11 = arith.constant 0xFF800000 : f32
    %broadcast_in_dim3A_12 = vector.broadcast %broadcast_in_dim3A_11 : f32 to vector<32x128xf32>
    %broadcast_in_dim3A_13 = arith.constant 0xFF800000 : f32
    %broadcast_in_dim3A_14 = vector.broadcast %broadcast_in_dim3A_13 : f32 to vector<32x128xf32>
    %broadcast_in_dim3A_15 = arith.constant 0 : i32
    %broadcast_in_dim3A_16 = vector.broadcast %broadcast_in_dim3A_15 : i32 to vector<32x128xi32>
    %broadcast_in_dim3A_17 = arith.constant 0 : i32
    %broadcast_in_dim3A_18 = vector.broadcast %broadcast_in_dim3A_17 : i32 to vector<32x128xi32>
    %broadcast_in_dim3A_19 = arith.constant 0 : i32
    %broadcast_in_dim3A_20 = vector.broadcast %broadcast_in_dim3A_19 : i32 to vector<32x128xi32>
    %broadcast_in_dim3A_21 = arith.constant 0 : i32
    %broadcast_in_dim3A_22 = vector.broadcast %broadcast_in_dim3A_21 : i32 to vector<32x128xi32>
    %broadcast_in_dim3A_23 = arith.constant 0 : i32
    %broadcast_in_dim3A_24 = vector.broadcast %broadcast_in_dim3A_23 : i32 to vector<32x128xi32>
    %broadcast_in_dim3A_25 = arith.constant 0 : i32
    %broadcast_in_dim3A_26 = vector.broadcast %broadcast_in_dim3A_25 : i32 to vector<32x128xi32>
    %broadcast_in_dim3A_27 = arith.constant 0 : i32
    %broadcast_in_dim3A_28 = vector.broadcast %broadcast_in_dim3A_27 : i32 to vector<32x128xi32>
    %broadcast_in_dim3A_29 = arith.constant 0 : i32
    %broadcast_in_dim3A_30 = vector.broadcast %broadcast_in_dim3A_29 : i32 to vector<32x128xi32>
    %scan3A = arith.constant 0 : i32
    %scan3A_31 = arith.constant 32 : i32
    %scan3A_32 = arith.addi %scan3A, %scan3A_31 : i32
    %scan3A_33 = arith.constant 4 : i32
    %scan3A_34:16 = scf.for %scan3A_145 = %scan3A to %scan3A_32 step %scan3A_33 iter_args(%scan3A_146 = %broadcast_in_dim3A_0, %scan3A_147 = %broadcast_in_dim3A_2, %scan3A_148 = %broadcast_in_dim3A_4, %scan3A_149 = %broadcast_in_dim3A_6, %scan3A_150 = %broadcast_in_dim3A_8, %scan3A_151 = %broadcast_in_dim3A_10, %scan3A_152 = %broadcast_in_dim3A_12, %scan3A_153 = %broadcast_in_dim3A_14, %scan3A_154 = %broadcast_in_dim3A_16, %scan3A_155 = %broadcast_in_dim3A_18, %scan3A_156 = %broadcast_in_dim3A_20, %scan3A_157 = %broadcast_in_dim3A_22, %scan3A_158 = %broadcast_in_dim3A_24, %scan3A_159 = %broadcast_in_dim3A_26, %scan3A_160 = %broadcast_in_dim3A_28, %scan3A_161 = %broadcast_in_dim3A_30) -> (vector<32x128xf32>, vector<32x128xf32>, vector<32x128xf32>, vector<32x128xf32>, vector<32x128xf32>, vector<32x128xf32>, vector<32x128xf32>, vector<32x128xf32>, vector<32x128xi32>, vector<32x128xi32>, vector<32x128xi32>, vector<32x128xi32>, vector<32x128xi32>, vector<32x128xi32>, vector<32x128xi32>, vector<32x128xi32>)  : i32 {
      %broadcast_in_dim3A_162 = vector.broadcast %scan3A_145 : i32 to vector<32x128xi32>
      %mul3A_163 = arith.constant 8 : i32
      %mul3A_164 = arith.muli %scan3A_145, %mul3A_163 : i32
      %add3A_165 = arith.constant 0 : i32
      %add3A_166 = arith.addi %mul3A_164, %add3A_165 : i32
      %mul3A_167 = arith.constant 128 : i32
      %mul3A_168 = arith.muli %add3A_166, %mul3A_167 : i32
      %get3A = arith.constant 0 : index
      %get3A_169 = arith.index_cast %mul3A_168 : i32 to index
      %get3A_170 = vector.load %arg1[%get3A, %get3A_169] : memref<32x32768xf32, #tpu.memory_space<vmem>>, vector<32x128xf32>
      %gt3A_171 = arith.cmpf ogt, %get3A_170, %scan3A_146 : vector<32x128xf32>
      %select_n3A_172 = arith.select %gt3A_171, %get3A_170, %scan3A_146 : vector<32x128xi1>, vector<32x128xf32>
      %select_n3A_173 = arith.select %gt3A_171, %broadcast_in_dim3A_162, %scan3A_154 : vector<32x128xi1>, vector<32x128xi32>
      %mul3A_174 = arith.constant 8 : i32
      %mul3A_175 = arith.muli %scan3A_145, %mul3A_174 : i32
      %add3A_176 = arith.constant 1 : i32
      %add3A_177 = arith.addi %mul3A_175, %add3A_176 : i32
      %mul3A_178 = arith.constant 128 : i32
      %mul3A_179 = arith.muli %add3A_177, %mul3A_178 : i32
      %get3A_180 = arith.constant 0 : index
      %get3A_181 = arith.index_cast %mul3A_179 : i32 to index
      %get3A_182 = vector.load %arg1[%get3A_180, %get3A_181] : memref<32x32768xf32, #tpu.memory_space<vmem>>, vector<32x128xf32>
      %gt3A_183 = arith.cmpf ogt, %get3A_182, %scan3A_147 : vector<32x128xf32>
      %select_n3A_184 = arith.select %gt3A_183, %get3A_182, %scan3A_147 : vector<32x128xi1>, vector<32x128xf32>
      %select_n3A_185 = arith.select %gt3A_183, %broadcast_in_dim3A_162, %scan3A_155 : vector<32x128xi1>, vector<32x128xi32>
      %mul3A_186 = arith.constant 8 : i32
      %mul3A_187 = arith.muli %scan3A_145, %mul3A_186 : i32
      %add3A_188 = arith.constant 2 : i32
      %add3A_189 = arith.addi %mul3A_187, %add3A_188 : i32
      %mul3A_190 = arith.constant 128 : i32
      %mul3A_191 = arith.muli %add3A_189, %mul3A_190 : i32
      %get3A_192 = arith.constant 0 : index
      %get3A_193 = arith.index_cast %mul3A_191 : i32 to index
      %get3A_194 = vector.load %arg1[%get3A_192, %get3A_193] : memref<32x32768xf32, #tpu.memory_space<vmem>>, vector<32x128xf32>
      %gt3A_195 = arith.cmpf ogt, %get3A_194, %scan3A_148 : vector<32x128xf32>
      %select_n3A_196 = arith.select %gt3A_195, %get3A_194, %scan3A_148 : vector<32x128xi1>, vector<32x128xf32>
      %select_n3A_197 = arith.select %gt3A_195, %broadcast_in_dim3A_162, %scan3A_156 : vector<32x128xi1>, vector<32x128xi32>
      %mul3A_198 = arith.constant 8 : i32
      %mul3A_199 = arith.muli %scan3A_145, %mul3A_198 : i32
      %add3A_200 = arith.constant 3 : i32
      %add3A_201 = arith.addi %mul3A_199, %add3A_200 : i32
      %mul3A_202 = arith.constant 128 : i32
      %mul3A_203 = arith.muli %add3A_201, %mul3A_202 : i32
      %get3A_204 = arith.constant 0 : index
      %get3A_205 = arith.index_cast %mul3A_203 : i32 to index
      %get3A_206 = vector.load %arg1[%get3A_204, %get3A_205] : memref<32x32768xf32, #tpu.memory_space<vmem>>, vector<32x128xf32>
      %gt3A_207 = arith.cmpf ogt, %get3A_206, %scan3A_149 : vector<32x128xf32>
      %select_n3A_208 = arith.select %gt3A_207, %get3A_206, %scan3A_149 : vector<32x128xi1>, vector<32x128xf32>
      %select_n3A_209 = arith.select %gt3A_207, %broadcast_in_dim3A_162, %scan3A_157 : vector<32x128xi1>, vector<32x128xi32>
      %mul3A_210 = arith.constant 8 : i32
      %mul3A_211 = arith.muli %scan3A_145, %mul3A_210 : i32
      %add3A_212 = arith.constant 4 : i32
      %add3A_213 = arith.addi %mul3A_211, %add3A_212 : i32
      %mul3A_214 = arith.constant 128 : i32
      %mul3A_215 = arith.muli %add3A_213, %mul3A_214 : i32
      %get3A_216 = arith.constant 0 : index
      %get3A_217 = arith.index_cast %mul3A_215 : i32 to index
      %get3A_218 = vector.load %arg1[%get3A_216, %get3A_217] : memref<32x32768xf32, #tpu.memory_space<vmem>>, vector<32x128xf32>
      %gt3A_219 = arith.cmpf ogt, %get3A_218, %scan3A_150 : vector<32x128xf32>
      %select_n3A_220 = arith.select %gt3A_219, %get3A_218, %scan3A_150 : vector<32x128xi1>, vector<32x128xf32>
      %select_n3A_221 = arith.select %gt3A_219, %broadcast_in_dim3A_162, %scan3A_158 : vector<32x128xi1>, vector<32x128xi32>
      %mul3A_222 = arith.constant 8 : i32
      %mul3A_223 = arith.muli %scan3A_145, %mul3A_222 : i32
      %add3A_224 = arith.constant 5 : i32
      %add3A_225 = arith.addi %mul3A_223, %add3A_224 : i32
      %mul3A_226 = arith.constant 128 : i32
      %mul3A_227 = arith.muli %add3A_225, %mul3A_226 : i32
      %get3A_228 = arith.constant 0 : index
      %get3A_229 = arith.index_cast %mul3A_227 : i32 to index
      %get3A_230 = vector.load %arg1[%get3A_228, %get3A_229] : memref<32x32768xf32, #tpu.memory_space<vmem>>, vector<32x128xf32>
      %gt3A_231 = arith.cmpf ogt, %get3A_230, %scan3A_151 : vector<32x128xf32>
      %select_n3A_232 = arith.select %gt3A_231, %get3A_230, %scan3A_151 : vector<32x128xi1>, vector<32x128xf32>
      %select_n3A_233 = arith.select %gt3A_231, %broadcast_in_dim3A_162, %scan3A_159 : vector<32x128xi1>, vector<32x128xi32>
      %mul3A_234 = arith.constant 8 : i32
      %mul3A_235 = arith.muli %scan3A_145, %mul3A_234 : i32
      %add3A_236 = arith.constant 6 : i32
      %add3A_237 = arith.addi %mul3A_235, %add3A_236 : i32
      %mul3A_238 = arith.constant 128 : i32
      %mul3A_239 = arith.muli %add3A_237, %mul3A_238 : i32
      %get3A_240 = arith.constant 0 : index
      %get3A_241 = arith.index_cast %mul3A_239 : i32 to index
      %get3A_242 = vector.load %arg1[%get3A_240, %get3A_241] : memref<32x32768xf32, #tpu.memory_space<vmem>>, vector<32x128xf32>
      %gt3A_243 = arith.cmpf ogt, %get3A_242, %scan3A_152 : vector<32x128xf32>
      %select_n3A_244 = arith.select %gt3A_243, %get3A_242, %scan3A_152 : vector<32x128xi1>, vector<32x128xf32>
      %select_n3A_245 = arith.select %gt3A_243, %broadcast_in_dim3A_162, %scan3A_160 : vector<32x128xi1>, vector<32x128xi32>
      %mul3A_246 = arith.constant 8 : i32
      %mul3A_247 = arith.muli %scan3A_145, %mul3A_246 : i32
      %add3A_248 = arith.constant 7 : i32
      %add3A_249 = arith.addi %mul3A_247, %add3A_248 : i32
      %mul3A_250 = arith.constant 128 : i32
      %mul3A_251 = arith.muli %add3A_249, %mul3A_250 : i32
      %get3A_252 = arith.constant 0 : index
      %get3A_253 = arith.index_cast %mul3A_251 : i32 to index
      %get3A_254 = vector.load %arg1[%get3A_252, %get3A_253] : memref<32x32768xf32, #tpu.memory_space<vmem>>, vector<32x128xf32>
      %gt3A_255 = arith.cmpf ogt, %get3A_254, %scan3A_153 : vector<32x128xf32>
      %select_n3A_256 = arith.select %gt3A_255, %get3A_254, %scan3A_153 : vector<32x128xi1>, vector<32x128xf32>
      %select_n3A_257 = arith.select %gt3A_255, %broadcast_in_dim3A_162, %scan3A_161 : vector<32x128xi1>, vector<32x128xi32>
      %scan3A_258 = arith.constant 1 : i32
      %scan3A_259 = arith.addi %scan3A_145, %scan3A_258 : i32
      %broadcast_in_dim3A_260 = vector.broadcast %scan3A_259 : i32 to vector<32x128xi32>
      %mul3A_261 = arith.constant 8 : i32
      %mul3A_262 = arith.muli %scan3A_259, %mul3A_261 : i32
      %add3A_263 = arith.constant 0 : i32
      %add3A_264 = arith.addi %mul3A_262, %add3A_263 : i32
      %mul3A_265 = arith.constant 128 : i32
      %mul3A_266 = arith.muli %add3A_264, %mul3A_265 : i32
      %get3A_267 = arith.constant 0 : index
      %get3A_268 = arith.index_cast %mul3A_266 : i32 to index
      %get3A_269 = vector.load %arg1[%get3A_267, %get3A_268] : memref<32x32768xf32, #tpu.memory_space<vmem>>, vector<32x128xf32>
      %gt3A_270 = arith.cmpf ogt, %get3A_269, %select_n3A_172 : vector<32x128xf32>
      %select_n3A_271 = arith.select %gt3A_270, %get3A_269, %select_n3A_172 : vector<32x128xi1>, vector<32x128xf32>
      %select_n3A_272 = arith.select %gt3A_270, %broadcast_in_dim3A_260, %select_n3A_173 : vector<32x128xi1>, vector<32x128xi32>
      %mul3A_273 = arith.constant 8 : i32
      %mul3A_274 = arith.muli %scan3A_259, %mul3A_273 : i32
      %add3A_275 = arith.constant 1 : i32
      %add3A_276 = arith.addi %mul3A_274, %add3A_275 : i32
      %mul3A_277 = arith.constant 128 : i32
      %mul3A_278 = arith.muli %add3A_276, %mul3A_277 : i32
      %get3A_279 = arith.constant 0 : index
      %get3A_280 = arith.index_cast %mul3A_278 : i32 to index
      %get3A_281 = vector.load %arg1[%get3A_279, %get3A_280] : memref<32x32768xf32, #tpu.memory_space<vmem>>, vector<32x128xf32>
      %gt3A_282 = arith.cmpf ogt, %get3A_281, %select_n3A_184 : vector<32x128xf32>
      %select_n3A_283 = arith.select %gt3A_282, %get3A_281, %select_n3A_184 : vector<32x128xi1>, vector<32x128xf32>
      %select_n3A_284 = arith.select %gt3A_282, %broadcast_in_dim3A_260, %select_n3A_185 : vector<32x128xi1>, vector<32x128xi32>
      %mul3A_285 = arith.constant 8 : i32
      %mul3A_286 = arith.muli %scan3A_259, %mul3A_285 : i32
      %add3A_287 = arith.constant 2 : i32
      %add3A_288 = arith.addi %mul3A_286, %add3A_287 : i32
      %mul3A_289 = arith.constant 128 : i32
      %mul3A_290 = arith.muli %add3A_288, %mul3A_289 : i32
      %get3A_291 = arith.constant 0 : index
      %get3A_292 = arith.index_cast %mul3A_290 : i32 to index
      %get3A_293 = vector.load %arg1[%get3A_291, %get3A_292] : memref<32x32768xf32, #tpu.memory_space<vmem>>, vector<32x128xf32>
      %gt3A_294 = arith.cmpf ogt, %get3A_293, %select_n3A_196 : vector<32x128xf32>
      %select_n3A_295 = arith.select %gt3A_294, %get3A_293, %select_n3A_196 : vector<32x128xi1>, vector<32x128xf32>
      %select_n3A_296 = arith.select %gt3A_294, %broadcast_in_dim3A_260, %select_n3A_197 : vector<32x128xi1>, vector<32x128xi32>
      %mul3A_297 = arith.constant 8 : i32
      %mul3A_298 = arith.muli %scan3A_259, %mul3A_297 : i32
      %add3A_299 = arith.constant 3 : i32
      %add3A_300 = arith.addi %mul3A_298, %add3A_299 : i32
      %mul3A_301 = arith.constant 128 : i32
      %mul3A_302 = arith.muli %add3A_300, %mul3A_301 : i32
      %get3A_303 = arith.constant 0 : index
      %get3A_304 = arith.index_cast %mul3A_302 : i32 to index
      %get3A_305 = vector.load %arg1[%get3A_303, %get3A_304] : memref<32x32768xf32, #tpu.memory_space<vmem>>, vector<32x128xf32>
      %gt3A_306 = arith.cmpf ogt, %get3A_305, %select_n3A_208 : vector<32x128xf32>
      %select_n3A_307 = arith.select %gt3A_306, %get3A_305, %select_n3A_208 : vector<32x128xi1>, vector<32x128xf32>
      %select_n3A_308 = arith.select %gt3A_306, %broadcast_in_dim3A_260, %select_n3A_209 : vector<32x128xi1>, vector<32x128xi32>
      %mul3A_309 = arith.constant 8 : i32
      %mul3A_310 = arith.muli %scan3A_259, %mul3A_309 : i32
      %add3A_311 = arith.constant 4 : i32
      %add3A_312 = arith.addi %mul3A_310, %add3A_311 : i32
      %mul3A_313 = arith.constant 128 : i32
      %mul3A_314 = arith.muli %add3A_312, %mul3A_313 : i32
      %get3A_315 = arith.constant 0 : index
      %get3A_316 = arith.index_cast %mul3A_314 : i32 to index
      %get3A_317 = vector.load %arg1[%get3A_315, %get3A_316] : memref<32x32768xf32, #tpu.memory_space<vmem>>, vector<32x128xf32>
      %gt3A_318 = arith.cmpf ogt, %get3A_317, %select_n3A_220 : vector<32x128xf32>
      %select_n3A_319 = arith.select %gt3A_318, %get3A_317, %select_n3A_220 : vector<32x128xi1>, vector<32x128xf32>
      %select_n3A_320 = arith.select %gt3A_318, %broadcast_in_dim3A_260, %select_n3A_221 : vector<32x128xi1>, vector<32x128xi32>
      %mul3A_321 = arith.constant 8 : i32
      %mul3A_322 = arith.muli %scan3A_259, %mul3A_321 : i32
      %add3A_323 = arith.constant 5 : i32
      %add3A_324 = arith.addi %mul3A_322, %add3A_323 : i32
      %mul3A_325 = arith.constant 128 : i32
      %mul3A_326 = arith.muli %add3A_324, %mul3A_325 : i32
      %get3A_327 = arith.constant 0 : index
      %get3A_328 = arith.index_cast %mul3A_326 : i32 to index
      %get3A_329 = vector.load %arg1[%get3A_327, %get3A_328] : memref<32x32768xf32, #tpu.memory_space<vmem>>, vector<32x128xf32>
      %gt3A_330 = arith.cmpf ogt, %get3A_329, %select_n3A_232 : vector<32x128xf32>
      %select_n3A_331 = arith.select %gt3A_330, %get3A_329, %select_n3A_232 : vector<32x128xi1>, vector<32x128xf32>
      %select_n3A_332 = arith.select %gt3A_330, %broadcast_in_dim3A_260, %select_n3A_233 : vector<32x128xi1>, vector<32x128xi32>
      %mul3A_333 = arith.constant 8 : i32
      %mul3A_334 = arith.muli %scan3A_259, %mul3A_333 : i32
      %add3A_335 = arith.constant 6 : i32
      %add3A_336 = arith.addi %mul3A_334, %add3A_335 : i32
      %mul3A_337 = arith.constant 128 : i32
      %mul3A_338 = arith.muli %add3A_336, %mul3A_337 : i32
      %get3A_339 = arith.constant 0 : index
      %get3A_340 = arith.index_cast %mul3A_338 : i32 to index
      %get3A_341 = vector.load %arg1[%get3A_339, %get3A_340] : memref<32x32768xf32, #tpu.memory_space<vmem>>, vector<32x128xf32>
      %gt3A_342 = arith.cmpf ogt, %get3A_341, %select_n3A_244 : vector<32x128xf32>
      %select_n3A_343 = arith.select %gt3A_342, %get3A_341, %select_n3A_244 : vector<32x128xi1>, vector<32x128xf32>
      %select_n3A_344 = arith.select %gt3A_342, %broadcast_in_dim3A_260, %select_n3A_245 : vector<32x128xi1>, vector<32x128xi32>
      %mul3A_345 = arith.constant 8 : i32
      %mul3A_346 = arith.muli %scan3A_259, %mul3A_345 : i32
      %add3A_347 = arith.constant 7 : i32
      %add3A_348 = arith.addi %mul3A_346, %add3A_347 : i32
      %mul3A_349 = arith.constant 128 : i32
      %mul3A_350 = arith.muli %add3A_348, %mul3A_349 : i32
      %get3A_351 = arith.constant 0 : index
      %get3A_352 = arith.index_cast %mul3A_350 : i32 to index
      %get3A_353 = vector.load %arg1[%get3A_351, %get3A_352] : memref<32x32768xf32, #tpu.memory_space<vmem>>, vector<32x128xf32>
      %gt3A_354 = arith.cmpf ogt, %get3A_353, %select_n3A_256 : vector<32x128xf32>
      %select_n3A_355 = arith.select %gt3A_354, %get3A_353, %select_n3A_256 : vector<32x128xi1>, vector<32x128xf32>
      %select_n3A_356 = arith.select %gt3A_354, %broadcast_in_dim3A_260, %select_n3A_257 : vector<32x128xi1>, vector<32x128xi32>
      %scan3A_357 = arith.constant 2 : i32
      %scan3A_358 = arith.addi %scan3A_145, %scan3A_357 : i32
      %broadcast_in_dim3A_359 = vector.broadcast %scan3A_358 : i32 to vector<32x128xi32>
      %mul3A_360 = arith.constant 8 : i32
      %mul3A_361 = arith.muli %scan3A_358, %mul3A_360 : i32
      %add3A_362 = arith.constant 0 : i32
      %add3A_363 = arith.addi %mul3A_361, %add3A_362 : i32
      %mul3A_364 = arith.constant 128 : i32
      %mul3A_365 = arith.muli %add3A_363, %mul3A_364 : i32
      %get3A_366 = arith.constant 0 : index
      %get3A_367 = arith.index_cast %mul3A_365 : i32 to index
      %get3A_368 = vector.load %arg1[%get3A_366, %get3A_367] : memref<32x32768xf32, #tpu.memory_space<vmem>>, vector<32x128xf32>
      %gt3A_369 = arith.cmpf ogt, %get3A_368, %select_n3A_271 : vector<32x128xf32>
      %select_n3A_370 = arith.select %gt3A_369, %get3A_368, %select_n3A_271 : vector<32x128xi1>, vector<32x128xf32>
      %select_n3A_371 = arith.select %gt3A_369, %broadcast_in_dim3A_359, %select_n3A_272 : vector<32x128xi1>, vector<32x128xi32>
      %mul3A_372 = arith.constant 8 : i32
      %mul3A_373 = arith.muli %scan3A_358, %mul3A_372 : i32
      %add3A_374 = arith.constant 1 : i32
      %add3A_375 = arith.addi %mul3A_373, %add3A_374 : i32
      %mul3A_376 = arith.constant 128 : i32
      %mul3A_377 = arith.muli %add3A_375, %mul3A_376 : i32
      %get3A_378 = arith.constant 0 : index
      %get3A_379 = arith.index_cast %mul3A_377 : i32 to index
      %get3A_380 = vector.load %arg1[%get3A_378, %get3A_379] : memref<32x32768xf32, #tpu.memory_space<vmem>>, vector<32x128xf32>
      %gt3A_381 = arith.cmpf ogt, %get3A_380, %select_n3A_283 : vector<32x128xf32>
      %select_n3A_382 = arith.select %gt3A_381, %get3A_380, %select_n3A_283 : vector<32x128xi1>, vector<32x128xf32>
      %select_n3A_383 = arith.select %gt3A_381, %broadcast_in_dim3A_359, %select_n3A_284 : vector<32x128xi1>, vector<32x128xi32>
      %mul3A_384 = arith.constant 8 : i32
      %mul3A_385 = arith.muli %scan3A_358, %mul3A_384 : i32
      %add3A_386 = arith.constant 2 : i32
      %add3A_387 = arith.addi %mul3A_385, %add3A_386 : i32
      %mul3A_388 = arith.constant 128 : i32
      %mul3A_389 = arith.muli %add3A_387, %mul3A_388 : i32
      %get3A_390 = arith.constant 0 : index
      %get3A_391 = arith.index_cast %mul3A_389 : i32 to index
      %get3A_392 = vector.load %arg1[%get3A_390, %get3A_391] : memref<32x32768xf32, #tpu.memory_space<vmem>>, vector<32x128xf32>
      %gt3A_393 = arith.cmpf ogt, %get3A_392, %select_n3A_295 : vector<32x128xf32>
      %select_n3A_394 = arith.select %gt3A_393, %get3A_392, %select_n3A_295 : vector<32x128xi1>, vector<32x128xf32>
      %select_n3A_395 = arith.select %gt3A_393, %broadcast_in_dim3A_359, %select_n3A_296 : vector<32x128xi1>, vector<32x128xi32>
      %mul3A_396 = arith.constant 8 : i32
      %mul3A_397 = arith.muli %scan3A_358, %mul3A_396 : i32
      %add3A_398 = arith.constant 3 : i32
      %add3A_399 = arith.addi %mul3A_397, %add3A_398 : i32
      %mul3A_400 = arith.constant 128 : i32
      %mul3A_401 = arith.muli %add3A_399, %mul3A_400 : i32
      %get3A_402 = arith.constant 0 : index
      %get3A_403 = arith.index_cast %mul3A_401 : i32 to index
      %get3A_404 = vector.load %arg1[%get3A_402, %get3A_403] : memref<32x32768xf32, #tpu.memory_space<vmem>>, vector<32x128xf32>
      %gt3A_405 = arith.cmpf ogt, %get3A_404, %select_n3A_307 : vector<32x128xf32>
      %select_n3A_406 = arith.select %gt3A_405, %get3A_404, %select_n3A_307 : vector<32x128xi1>, vector<32x128xf32>
      %select_n3A_407 = arith.select %gt3A_405, %broadcast_in_dim3A_359, %select_n3A_308 : vector<32x128xi1>, vector<32x128xi32>
      %mul3A_408 = arith.constant 8 : i32
      %mul3A_409 = arith.muli %scan3A_358, %mul3A_408 : i32
      %add3A_410 = arith.constant 4 : i32
      %add3A_411 = arith.addi %mul3A_409, %add3A_410 : i32
      %mul3A_412 = arith.constant 128 : i32
      %mul3A_413 = arith.muli %add3A_411, %mul3A_412 : i32
      %get3A_414 = arith.constant 0 : index
      %get3A_415 = arith.index_cast %mul3A_413 : i32 to index
      %get3A_416 = vector.load %arg1[%get3A_414, %get3A_415] : memref<32x32768xf32, #tpu.memory_space<vmem>>, vector<32x128xf32>
      %gt3A_417 = arith.cmpf ogt, %get3A_416, %select_n3A_319 : vector<32x128xf32>
      %select_n3A_418 = arith.select %gt3A_417, %get3A_416, %select_n3A_319 : vector<32x128xi1>, vector<32x128xf32>
      %select_n3A_419 = arith.select %gt3A_417, %broadcast_in_dim3A_359, %select_n3A_320 : vector<32x128xi1>, vector<32x128xi32>
      %mul3A_420 = arith.constant 8 : i32
      %mul3A_421 = arith.muli %scan3A_358, %mul3A_420 : i32
      %add3A_422 = arith.constant 5 : i32
      %add3A_423 = arith.addi %mul3A_421, %add3A_422 : i32
      %mul3A_424 = arith.constant 128 : i32
      %mul3A_425 = arith.muli %add3A_423, %mul3A_424 : i32
      %get3A_426 = arith.constant 0 : index
      %get3A_427 = arith.index_cast %mul3A_425 : i32 to index
      %get3A_428 = vector.load %arg1[%get3A_426, %get3A_427] : memref<32x32768xf32, #tpu.memory_space<vmem>>, vector<32x128xf32>
      %gt3A_429 = arith.cmpf ogt, %get3A_428, %select_n3A_331 : vector<32x128xf32>
      %select_n3A_430 = arith.select %gt3A_429, %get3A_428, %select_n3A_331 : vector<32x128xi1>, vector<32x128xf32>
      %select_n3A_431 = arith.select %gt3A_429, %broadcast_in_dim3A_359, %select_n3A_332 : vector<32x128xi1>, vector<32x128xi32>
      %mul3A_432 = arith.constant 8 : i32
      %mul3A_433 = arith.muli %scan3A_358, %mul3A_432 : i32
      %add3A_434 = arith.constant 6 : i32
      %add3A_435 = arith.addi %mul3A_433, %add3A_434 : i32
      %mul3A_436 = arith.constant 128 : i32
      %mul3A_437 = arith.muli %add3A_435, %mul3A_436 : i32
      %get3A_438 = arith.constant 0 : index
      %get3A_439 = arith.index_cast %mul3A_437 : i32 to index
      %get3A_440 = vector.load %arg1[%get3A_438, %get3A_439] : memref<32x32768xf32, #tpu.memory_space<vmem>>, vector<32x128xf32>
      %gt3A_441 = arith.cmpf ogt, %get3A_440, %select_n3A_343 : vector<32x128xf32>
      %select_n3A_442 = arith.select %gt3A_441, %get3A_440, %select_n3A_343 : vector<32x128xi1>, vector<32x128xf32>
      %select_n3A_443 = arith.select %gt3A_441, %broadcast_in_dim3A_359, %select_n3A_344 : vector<32x128xi1>, vector<32x128xi32>
      %mul3A_444 = arith.constant 8 : i32
      %mul3A_445 = arith.muli %scan3A_358, %mul3A_444 : i32
      %add3A_446 = arith.constant 7 : i32
      %add3A_447 = arith.addi %mul3A_445, %add3A_446 : i32
      %mul3A_448 = arith.constant 128 : i32
      %mul3A_449 = arith.muli %add3A_447, %mul3A_448 : i32
      %get3A_450 = arith.constant 0 : index
      %get3A_451 = arith.index_cast %mul3A_449 : i32 to index
      %get3A_452 = vector.load %arg1[%get3A_450, %get3A_451] : memref<32x32768xf32, #tpu.memory_space<vmem>>, vector<32x128xf32>
      %gt3A_453 = arith.cmpf ogt, %get3A_452, %select_n3A_355 : vector<32x128xf32>
      %select_n3A_454 = arith.select %gt3A_453, %get3A_452, %select_n3A_355 : vector<32x128xi1>, vector<32x128xf32>
      %select_n3A_455 = arith.select %gt3A_453, %broadcast_in_dim3A_359, %select_n3A_356 : vector<32x128xi1>, vector<32x128xi32>
      %scan3A_456 = arith.constant 3 : i32
      %scan3A_457 = arith.addi %scan3A_145, %scan3A_456 : i32
      %broadcast_in_dim3A_458 = vector.broadcast %scan3A_457 : i32 to vector<32x128xi32>
      %mul3A_459 = arith.constant 8 : i32
      %mul3A_460 = arith.muli %scan3A_457, %mul3A_459 : i32
      %add3A_461 = arith.constant 0 : i32
      %add3A_462 = arith.addi %mul3A_460, %add3A_461 : i32
      %mul3A_463 = arith.constant 128 : i32
      %mul3A_464 = arith.muli %add3A_462, %mul3A_463 : i32
      %get3A_465 = arith.constant 0 : index
      %get3A_466 = arith.index_cast %mul3A_464 : i32 to index
      %get3A_467 = vector.load %arg1[%get3A_465, %get3A_466] : memref<32x32768xf32, #tpu.memory_space<vmem>>, vector<32x128xf32>
      %gt3A_468 = arith.cmpf ogt, %get3A_467, %select_n3A_370 : vector<32x128xf32>
      %select_n3A_469 = arith.select %gt3A_468, %get3A_467, %select_n3A_370 : vector<32x128xi1>, vector<32x128xf32>
      %select_n3A_470 = arith.select %gt3A_468, %broadcast_in_dim3A_458, %select_n3A_371 : vector<32x128xi1>, vector<32x128xi32>
      %mul3A_471 = arith.constant 8 : i32
      %mul3A_472 = arith.muli %scan3A_457, %mul3A_471 : i32
      %add3A_473 = arith.constant 1 : i32
      %add3A_474 = arith.addi %mul3A_472, %add3A_473 : i32
      %mul3A_475 = arith.constant 128 : i32
      %mul3A_476 = arith.muli %add3A_474, %mul3A_475 : i32
      %get3A_477 = arith.constant 0 : index
      %get3A_478 = arith.index_cast %mul3A_476 : i32 to index
      %get3A_479 = vector.load %arg1[%get3A_477, %get3A_478] : memref<32x32768xf32, #tpu.memory_space<vmem>>, vector<32x128xf32>
      %gt3A_480 = arith.cmpf ogt, %get3A_479, %select_n3A_382 : vector<32x128xf32>
      %select_n3A_481 = arith.select %gt3A_480, %get3A_479, %select_n3A_382 : vector<32x128xi1>, vector<32x128xf32>
      %select_n3A_482 = arith.select %gt3A_480, %broadcast_in_dim3A_458, %select_n3A_383 : vector<32x128xi1>, vector<32x128xi32>
      %mul3A_483 = arith.constant 8 : i32
      %mul3A_484 = arith.muli %scan3A_457, %mul3A_483 : i32
      %add3A_485 = arith.constant 2 : i32
      %add3A_486 = arith.addi %mul3A_484, %add3A_485 : i32
      %mul3A_487 = arith.constant 128 : i32
      %mul3A_488 = arith.muli %add3A_486, %mul3A_487 : i32
      %get3A_489 = arith.constant 0 : index
      %get3A_490 = arith.index_cast %mul3A_488 : i32 to index
      %get3A_491 = vector.load %arg1[%get3A_489, %get3A_490] : memref<32x32768xf32, #tpu.memory_space<vmem>>, vector<32x128xf32>
      %gt3A_492 = arith.cmpf ogt, %get3A_491, %select_n3A_394 : vector<32x128xf32>
      %select_n3A_493 = arith.select %gt3A_492, %get3A_491, %select_n3A_394 : vector<32x128xi1>, vector<32x128xf32>
      %select_n3A_494 = arith.select %gt3A_492, %broadcast_in_dim3A_458, %select_n3A_395 : vector<32x128xi1>, vector<32x128xi32>
      %mul3A_495 = arith.constant 8 : i32
      %mul3A_496 = arith.muli %scan3A_457, %mul3A_495 : i32
      %add3A_497 = arith.constant 3 : i32
      %add3A_498 = arith.addi %mul3A_496, %add3A_497 : i32
      %mul3A_499 = arith.constant 128 : i32
      %mul3A_500 = arith.muli %add3A_498, %mul3A_499 : i32
      %get3A_501 = arith.constant 0 : index
      %get3A_502 = arith.index_cast %mul3A_500 : i32 to index
      %get3A_503 = vector.load %arg1[%get3A_501, %get3A_502] : memref<32x32768xf32, #tpu.memory_space<vmem>>, vector<32x128xf32>
      %gt3A_504 = arith.cmpf ogt, %get3A_503, %select_n3A_406 : vector<32x128xf32>
      %select_n3A_505 = arith.select %gt3A_504, %get3A_503, %select_n3A_406 : vector<32x128xi1>, vector<32x128xf32>
      %select_n3A_506 = arith.select %gt3A_504, %broadcast_in_dim3A_458, %select_n3A_407 : vector<32x128xi1>, vector<32x128xi32>
      %mul3A_507 = arith.constant 8 : i32
      %mul3A_508 = arith.muli %scan3A_457, %mul3A_507 : i32
      %add3A_509 = arith.constant 4 : i32
      %add3A_510 = arith.addi %mul3A_508, %add3A_509 : i32
      %mul3A_511 = arith.constant 128 : i32
      %mul3A_512 = arith.muli %add3A_510, %mul3A_511 : i32
      %get3A_513 = arith.constant 0 : index
      %get3A_514 = arith.index_cast %mul3A_512 : i32 to index
      %get3A_515 = vector.load %arg1[%get3A_513, %get3A_514] : memref<32x32768xf32, #tpu.memory_space<vmem>>, vector<32x128xf32>
      %gt3A_516 = arith.cmpf ogt, %get3A_515, %select_n3A_418 : vector<32x128xf32>
      %select_n3A_517 = arith.select %gt3A_516, %get3A_515, %select_n3A_418 : vector<32x128xi1>, vector<32x128xf32>
      %select_n3A_518 = arith.select %gt3A_516, %broadcast_in_dim3A_458, %select_n3A_419 : vector<32x128xi1>, vector<32x128xi32>
      %mul3A_519 = arith.constant 8 : i32
      %mul3A_520 = arith.muli %scan3A_457, %mul3A_519 : i32
      %add3A_521 = arith.constant 5 : i32
      %add3A_522 = arith.addi %mul3A_520, %add3A_521 : i32
      %mul3A_523 = arith.constant 128 : i32
      %mul3A_524 = arith.muli %add3A_522, %mul3A_523 : i32
      %get3A_525 = arith.constant 0 : index
      %get3A_526 = arith.index_cast %mul3A_524 : i32 to index
      %get3A_527 = vector.load %arg1[%get3A_525, %get3A_526] : memref<32x32768xf32, #tpu.memory_space<vmem>>, vector<32x128xf32>
      %gt3A_528 = arith.cmpf ogt, %get3A_527, %select_n3A_430 : vector<32x128xf32>
      %select_n3A_529 = arith.select %gt3A_528, %get3A_527, %select_n3A_430 : vector<32x128xi1>, vector<32x128xf32>
      %select_n3A_530 = arith.select %gt3A_528, %broadcast_in_dim3A_458, %select_n3A_431 : vector<32x128xi1>, vector<32x128xi32>
      %mul3A_531 = arith.constant 8 : i32
      %mul3A_532 = arith.muli %scan3A_457, %mul3A_531 : i32
      %add3A_533 = arith.constant 6 : i32
      %add3A_534 = arith.addi %mul3A_532, %add3A_533 : i32
      %mul3A_535 = arith.constant 128 : i32
      %mul3A_536 = arith.muli %add3A_534, %mul3A_535 : i32
      %get3A_537 = arith.constant 0 : index
      %get3A_538 = arith.index_cast %mul3A_536 : i32 to index
      %get3A_539 = vector.load %arg1[%get3A_537, %get3A_538] : memref<32x32768xf32, #tpu.memory_space<vmem>>, vector<32x128xf32>
      %gt3A_540 = arith.cmpf ogt, %get3A_539, %select_n3A_442 : vector<32x128xf32>
      %select_n3A_541 = arith.select %gt3A_540, %get3A_539, %select_n3A_442 : vector<32x128xi1>, vector<32x128xf32>
      %select_n3A_542 = arith.select %gt3A_540, %broadcast_in_dim3A_458, %select_n3A_443 : vector<32x128xi1>, vector<32x128xi32>
      %mul3A_543 = arith.constant 8 : i32
      %mul3A_544 = arith.muli %scan3A_457, %mul3A_543 : i32
      %add3A_545 = arith.constant 7 : i32
      %add3A_546 = arith.addi %mul3A_544, %add3A_545 : i32
      %mul3A_547 = arith.constant 128 : i32
      %mul3A_548 = arith.muli %add3A_546, %mul3A_547 : i32
      %get3A_549 = arith.constant 0 : index
      %get3A_550 = arith.index_cast %mul3A_548 : i32 to index
      %get3A_551 = vector.load %arg1[%get3A_549, %get3A_550] : memref<32x32768xf32, #tpu.memory_space<vmem>>, vector<32x128xf32>
      %gt3A_552 = arith.cmpf ogt, %get3A_551, %select_n3A_454 : vector<32x128xf32>
      %select_n3A_553 = arith.select %gt3A_552, %get3A_551, %select_n3A_454 : vector<32x128xi1>, vector<32x128xf32>
      %select_n3A_554 = arith.select %gt3A_552, %broadcast_in_dim3A_458, %select_n3A_455 : vector<32x128xi1>, vector<32x128xi32>
      scf.yield %select_n3A_469, %select_n3A_481, %select_n3A_493, %select_n3A_505, %select_n3A_517, %select_n3A_529, %select_n3A_541, %select_n3A_553, %select_n3A_470, %select_n3A_482, %select_n3A_494, %select_n3A_506, %select_n3A_518, %select_n3A_530, %select_n3A_542, %select_n3A_554 : vector<32x128xf32>, vector<32x128xf32>, vector<32x128xf32>, vector<32x128xf32>, vector<32x128xf32>, vector<32x128xf32>, vector<32x128xf32>, vector<32x128xf32>, vector<32x128xi32>, vector<32x128xi32>, vector<32x128xi32>, vector<32x128xi32>, vector<32x128xi32>, vector<32x128xi32>, vector<32x128xi32>, vector<32x128xi32>
    }
    %scan3A_35 = arith.constant 32 : i32
    %mul3A = arith.constant 1024 : i32
    %mul3A_36 = vector.broadcast %mul3A : i32 to vector<32x128xi32>
    %mul3A_37 = arith.muli %scan3A_34#8, %mul3A_36 : vector<32x128xi32>
    %add3A = arith.constant 0 : i32
    %add3A_38 = vector.broadcast %add3A : i32 to vector<32x128xi32>
    %add3A_39 = arith.addi %iota3A, %add3A_38 : vector<32x128xi32>
    %add3A_40 = arith.addi %mul3A_37, %add3A_39 : vector<32x128xi32>
    %mul3A_41 = arith.constant 1024 : i32
    %mul3A_42 = vector.broadcast %mul3A_41 : i32 to vector<32x128xi32>
    %mul3A_43 = arith.muli %scan3A_34#9, %mul3A_42 : vector<32x128xi32>
    %add3A_44 = arith.constant 128 : i32
    %add3A_45 = vector.broadcast %add3A_44 : i32 to vector<32x128xi32>
    %add3A_46 = arith.addi %iota3A, %add3A_45 : vector<32x128xi32>
    %add3A_47 = arith.addi %mul3A_43, %add3A_46 : vector<32x128xi32>
    %mul3A_48 = arith.constant 1024 : i32
    %mul3A_49 = vector.broadcast %mul3A_48 : i32 to vector<32x128xi32>
    %mul3A_50 = arith.muli %scan3A_34#10, %mul3A_49 : vector<32x128xi32>
    %add3A_51 = arith.constant 256 : i32
    %add3A_52 = vector.broadcast %add3A_51 : i32 to vector<32x128xi32>
    %add3A_53 = arith.addi %iota3A, %add3A_52 : vector<32x128xi32>
    %add3A_54 = arith.addi %mul3A_50, %add3A_53 : vector<32x128xi32>
    %mul3A_55 = arith.constant 1024 : i32
    %mul3A_56 = vector.broadcast %mul3A_55 : i32 to vector<32x128xi32>
    %mul3A_57 = arith.muli %scan3A_34#11, %mul3A_56 : vector<32x128xi32>
    %add3A_58 = arith.constant 384 : i32
    %add3A_59 = vector.broadcast %add3A_58 : i32 to vector<32x128xi32>
    %add3A_60 = arith.addi %iota3A, %add3A_59 : vector<32x128xi32>
    %add3A_61 = arith.addi %mul3A_57, %add3A_60 : vector<32x128xi32>
    %mul3A_62 = arith.constant 1024 : i32
    %mul3A_63 = vector.broadcast %mul3A_62 : i32 to vector<32x128xi32>
    %mul3A_64 = arith.muli %scan3A_34#12, %mul3A_63 : vector<32x128xi32>
    %add3A_65 = arith.constant 512 : i32
    %add3A_66 = vector.broadcast %add3A_65 : i32 to vector<32x128xi32>
    %add3A_67 = arith.addi %iota3A, %add3A_66 : vector<32x128xi32>
    %add3A_68 = arith.addi %mul3A_64, %add3A_67 : vector<32x128xi32>
    %mul3A_69 = arith.constant 1024 : i32
    %mul3A_70 = vector.broadcast %mul3A_69 : i32 to vector<32x128xi32>
    %mul3A_71 = arith.muli %scan3A_34#13, %mul3A_70 : vector<32x128xi32>
    %add3A_72 = arith.constant 640 : i32
    %add3A_73 = vector.broadcast %add3A_72 : i32 to vector<32x128xi32>
    %add3A_74 = arith.addi %iota3A, %add3A_73 : vector<32x128xi32>
    %add3A_75 = arith.addi %mul3A_71, %add3A_74 : vector<32x128xi32>
    %mul3A_76 = arith.constant 1024 : i32
    %mul3A_77 = vector.broadcast %mul3A_76 : i32 to vector<32x128xi32>
    %mul3A_78 = arith.muli %scan3A_34#14, %mul3A_77 : vector<32x128xi32>
    %add3A_79 = arith.constant 768 : i32
    %add3A_80 = vector.broadcast %add3A_79 : i32 to vector<32x128xi32>
    %add3A_81 = arith.addi %iota3A, %add3A_80 : vector<32x128xi32>
    %add3A_82 = arith.addi %mul3A_78, %add3A_81 : vector<32x128xi32>
    %mul3A_83 = arith.constant 1024 : i32
    %mul3A_84 = vector.broadcast %mul3A_83 : i32 to vector<32x128xi32>
    %mul3A_85 = arith.muli %scan3A_34#15, %mul3A_84 : vector<32x128xi32>
    %add3A_86 = arith.constant 896 : i32
    %add3A_87 = vector.broadcast %add3A_86 : i32 to vector<32x128xi32>
    %add3A_88 = arith.addi %iota3A, %add3A_87 : vector<32x128xi32>
    %add3A_89 = arith.addi %mul3A_85, %add3A_88 : vector<32x128xi32>
    %gt3A = arith.cmpf ogt, %scan3A_34#0, %scan3A_34#1 : vector<32x128xf32>
    %eq3A = arith.cmpf oeq, %scan3A_34#0, %scan3A_34#1 : vector<32x128xf32>
    %lt3A = arith.cmpi slt, %add3A_40, %add3A_47 : vector<32x128xi32>
    %and3A = arith.andi %eq3A, %lt3A : vector<32x128xi1>
    %or3A = arith.ori %gt3A, %and3A : vector<32x128xi1>
    %select_n3A = arith.select %or3A, %scan3A_34#0, %scan3A_34#1 : vector<32x128xi1>, vector<32x128xf32>
    %select_n3A_90 = arith.select %or3A, %add3A_40, %add3A_47 : vector<32x128xi1>, vector<32x128xi32>
    %gt3A_91 = arith.cmpf ogt, %scan3A_34#2, %scan3A_34#3 : vector<32x128xf32>
    %eq3A_92 = arith.cmpf oeq, %scan3A_34#2, %scan3A_34#3 : vector<32x128xf32>
    %lt3A_93 = arith.cmpi slt, %add3A_54, %add3A_61 : vector<32x128xi32>
    %and3A_94 = arith.andi %eq3A_92, %lt3A_93 : vector<32x128xi1>
    %or3A_95 = arith.ori %gt3A_91, %and3A_94 : vector<32x128xi1>
    %select_n3A_96 = arith.select %or3A_95, %scan3A_34#2, %scan3A_34#3 : vector<32x128xi1>, vector<32x128xf32>
    %select_n3A_97 = arith.select %or3A_95, %add3A_54, %add3A_61 : vector<32x128xi1>, vector<32x128xi32>
    %gt3A_98 = arith.cmpf ogt, %scan3A_34#4, %scan3A_34#5 : vector<32x128xf32>
    %eq3A_99 = arith.cmpf oeq, %scan3A_34#4, %scan3A_34#5 : vector<32x128xf32>
    %lt3A_100 = arith.cmpi slt, %add3A_68, %add3A_75 : vector<32x128xi32>
    %and3A_101 = arith.andi %eq3A_99, %lt3A_100 : vector<32x128xi1>
    %or3A_102 = arith.ori %gt3A_98, %and3A_101 : vector<32x128xi1>
    %select_n3A_103 = arith.select %or3A_102, %scan3A_34#4, %scan3A_34#5 : vector<32x128xi1>, vector<32x128xf32>
    %select_n3A_104 = arith.select %or3A_102, %add3A_68, %add3A_75 : vector<32x128xi1>, vector<32x128xi32>
    %gt3A_105 = arith.cmpf ogt, %scan3A_34#6, %scan3A_34#7 : vector<32x128xf32>
    %eq3A_106 = arith.cmpf oeq, %scan3A_34#6, %scan3A_34#7 : vector<32x128xf32>
    %lt3A_107 = arith.cmpi slt, %add3A_82, %add3A_89 : vector<32x128xi32>
    %and3A_108 = arith.andi %eq3A_106, %lt3A_107 : vector<32x128xi1>
    %or3A_109 = arith.ori %gt3A_105, %and3A_108 : vector<32x128xi1>
    %select_n3A_110 = arith.select %or3A_109, %scan3A_34#6, %scan3A_34#7 : vector<32x128xi1>, vector<32x128xf32>
    %select_n3A_111 = arith.select %or3A_109, %add3A_82, %add3A_89 : vector<32x128xi1>, vector<32x128xi32>
    %gt3A_112 = arith.cmpf ogt, %select_n3A, %select_n3A_96 : vector<32x128xf32>
    %eq3A_113 = arith.cmpf oeq, %select_n3A, %select_n3A_96 : vector<32x128xf32>
    %lt3A_114 = arith.cmpi slt, %select_n3A_90, %select_n3A_97 : vector<32x128xi32>
    %and3A_115 = arith.andi %eq3A_113, %lt3A_114 : vector<32x128xi1>
    %or3A_116 = arith.ori %gt3A_112, %and3A_115 : vector<32x128xi1>
    %select_n3A_117 = arith.select %or3A_116, %select_n3A, %select_n3A_96 : vector<32x128xi1>, vector<32x128xf32>
    %select_n3A_118 = arith.select %or3A_116, %select_n3A_90, %select_n3A_97 : vector<32x128xi1>, vector<32x128xi32>
    %gt3A_119 = arith.cmpf ogt, %select_n3A_103, %select_n3A_110 : vector<32x128xf32>
    %eq3A_120 = arith.cmpf oeq, %select_n3A_103, %select_n3A_110 : vector<32x128xf32>
    %lt3A_121 = arith.cmpi slt, %select_n3A_104, %select_n3A_111 : vector<32x128xi32>
    %and3A_122 = arith.andi %eq3A_120, %lt3A_121 : vector<32x128xi1>
    %or3A_123 = arith.ori %gt3A_119, %and3A_122 : vector<32x128xi1>
    %select_n3A_124 = arith.select %or3A_123, %select_n3A_103, %select_n3A_110 : vector<32x128xi1>, vector<32x128xf32>
    %select_n3A_125 = arith.select %or3A_123, %select_n3A_104, %select_n3A_111 : vector<32x128xi1>, vector<32x128xi32>
    %gt3A_126 = arith.cmpf ogt, %select_n3A_117, %select_n3A_124 : vector<32x128xf32>
    %eq3A_127 = arith.cmpf oeq, %select_n3A_117, %select_n3A_124 : vector<32x128xf32>
    %lt3A_128 = arith.cmpi slt, %select_n3A_118, %select_n3A_125 : vector<32x128xi32>
    %and3A_129 = arith.andi %eq3A_127, %lt3A_128 : vector<32x128xi1>
    %or3A_130 = arith.ori %gt3A_126, %and3A_129 : vector<32x128xi1>
    %select_n3A_131 = arith.select %or3A_130, %select_n3A_117, %select_n3A_124 : vector<32x128xi1>, vector<32x128xf32>
    %select_n3A_132 = arith.select %or3A_130, %select_n3A_118, %select_n3A_125 : vector<32x128xi1>, vector<32x128xi32>
    %reduce_max3A = arith.constant dense<0xFF800000> : vector<32xf32>
    %reduce_max3A_133 = vector.multi_reduction <maximumf>, %select_n3A_131, %reduce_max3A [1] : vector<32x128xf32> to vector<32xf32>
    %broadcast_in_dim3A_134 = vector.shape_cast %reduce_max3A_133 : vector<32xf32> to vector<32x1xf32>
    %eq3A_135 = vector.broadcast %broadcast_in_dim3A_134 : vector<32x1xf32> to vector<32x128xf32>
    %eq3A_136 = arith.cmpf oeq, %select_n3A_131, %eq3A_135 : vector<32x128xf32>
    %jit3A = arith.constant 32768 : i32
    %broadcast_in_dim3A_137 = vector.broadcast %jit3A : i32 to vector<32x128xi32>
    %select_n3A_138 = arith.select %eq3A_136, %select_n3A_132, %broadcast_in_dim3A_137 : vector<32x128xi1>, vector<32x128xi32>
    %reduce_min3A = arith.constant dense<2147483647> : vector<32xi32>
    %reduce_min3A_139 = vector.multi_reduction <minsi>, %select_n3A_138, %reduce_min3A [1] : vector<32x128xi32> to vector<32xi32>
    %broadcast_in_dim3A_140 = vector.shape_cast %reduce_min3A_139 : vector<32xi32> to vector<32x1xi32>
    %broadcast_in_dim3A_141 = vector.shape_cast %broadcast_in_dim3A_140 : vector<32x1xi32> to vector<32x1xi32>
    %broadcast_in_dim3A_142 = vector.broadcast %broadcast_in_dim3A_141 : vector<32x1xi32> to vector<32x128xi32>
    %swap3A = arith.constant 0 : index
    %swap3A_143 = arith.constant 0 : index
    %swap3A_144 = vector.load %arg2[%swap3A, %swap3A_143] : memref<32x128xi32, #tpu.memory_space<vmem>>, vector<32x128xi32>
    tpu.vector_store %arg2[%swap3A, %swap3A_143], %broadcast_in_dim3A_142 {strides = array<i32>} : memref<32x128xi32, #tpu.memory_space<vmem>>, vector<32x128xi32>,
    return
  }
  func.func @transform_0(%arg0: i32) -> (i32, i32) {
    %add3A = arith.constant 1 : i32
    %add3A_0 = arith.addi %add3A, %arg0 : i32
    %c0_i32 = arith.constant 0 : i32
    %c0_i32_1 = arith.constant 0 : i32
    return %add3A_0, %c0_i32 : i32, i32
  }
  func.func @transform_1(%arg0: i32) -> (i32, i32) {
    %c0_i32 = arith.constant 0 : i32
    %c0_i32_0 = arith.constant 0 : i32
    return %arg0, %c0_i32 : i32, i32
  }
}

</mosaic_0001>

<sc_bundles>
// kernel: kernel.4.cloned.1.call-start
scs
__scs_entry_jumppad:
0x0: {  	(pc) =	sbr.rel $0x88, $3  }
0x1: {  	(tag) =	ssettag $0x0;
	lr =	simm.s32 $0x1  }
0x2: {  	[smem:$0x3FA0] =	sst lr;
	_ =	strace $0xD0000000  }
0x3: {  	_ = 	snop  }
0x4: {  	_ = 	snop  }
0x5: {  	_ = 	snop  }
0x6: {  	_ = 	snop  }
0x7: {  	_ = 	snop  }
__scs_overlays_trampoline_lowered:
0x8: {  	[smem:$0x3FAF] =	sst s0  }
0x9: {  	[smem:$0x3FB0] =	sst s1  }
0xa: {  	[smem:$0x3FB1] =	sst s2  }
0xb: {  	[smem:$0x3FB2] =	sst s3  }
0xc: {  	[smem:$0x3FB3] =	sst s4  }
0xd: {  	[smem:$0x3FB4] =	sst s5  }
0xe: {  	[smem:$0x3FB5] =	sst s6  }
0xf: {  	[smem:$0x3FB6] =	sst s7  }
0x10: {  	[smem:$0x3FB7] =	sst s8  }
0x11: {  	[smem:$0x3FB8] =	sst s9;
	s0 =	simm.s32 @!p0 $0x0  }
0x12: {  	s1 =	sld [smem:$0x3F9E];
	s0 =	simm.s32 @p0 $0x1  }
0x13: {  	[smem:$0x3FB9] =	sst s0;
	s0 =	simm.s32 @!p1 $0x0  }
0x14: {  	s2 =	sld [smem:$0x3F9D];
	s0 =	simm.s32 @p1 $0x1  }
0x15: {  	[smem:$0x3FBA] =	sst s0;
	s0 =	simm.s32 @!p2 $0x0  }
0x16: {  	s3 =	sld [smem:$0x3FDB];
	s0 =	simm.s32 @p2 $0x1  }
0x17: {  	s4 =	simm.s32 $0x1BF5;
	[smem:$0x3FBC] =	sst s0  }
0x18: {  	s0 =	sld [smem:$0x3F9F];
	_ =	swait.ge [sflag:s4], $0x0  }
0x19: {  	s7 =	sld [smem:$0x3FA0]  }
0x1a: {  	s8 =	sadd.s32 $0xFFFFE003, lr  }
0x1b: {  	s9 =	sadd.s32 $0xFFFFFEF7, lr;
	s5 =	simm.s32 $0xFFFFFFFF;
	p2 =	slt.u32 s8, $0xFFFFF086  }
0x1c: {  	p1 =	slt.u32 s9, $0xF7A;
	s5 =	simm.s32 @!p2 $0x0  }
0x1d: {  	s5 =	simm.s32 @p1 $0x1;
	p0 =	seq.s32 s7, s2  }
0x1e: {  	s7 =	smul.u32 @!p0 $0xF7A, s2;
	p2 =	seq.s32 @!p0 s5, $0x0  }
0x1f: {  	s9 =	smul.u32 $0xF7A, s1;
	s8 =	simm.s32 @!p0 $0x1BF5;
	p2 =	por !p2, p0  }
0x20: {  	[sflag:s8] =	ssyncset.s32 @!p0 $0xFFFFF086;
	s6 =	sadd.s32 @!p0 s3, s7;
	s7 =	simm.s32 @!p0 $0x108  }
0x21: {  	s3 =	sadd.s32 s3, s9;
	s6 =	sadd.s32 @!p0 $0x88, s6;
	s7 =	simm.s32 @p2 $0x1082  }
0x22: {  	[simem:s7], [sflag:s8] =	dma.local @!p0 [hbm:s6], $0xF7A  }
0x23: {  	s9 =	sor.u32 $0xD0000000, s2;
	s6 =	simm.s32 $0x108;
	_ =	swait.ge @!p0 [sflag:s8], $0x0  }
0x24: {  	s3 =	sadd.s32 $0x88, s3;
	s6 =	simm.s32 @!p1 $0x1082;
	[sflag:s4] =	ssyncset.s32 $0xFFFFF086  }
0x25: {  	[simem:s6], [sflag:s4] =	dma.local [hbm:s3], $0xF7A  }
0x26: {  	[smem:$0x3FA0] =	sst s1;
	(tag) =	ssettag s2;
	_ =	strace s9  }
0x27: {  	s1 =	sld [smem:$0x3FB0]  }
0x28: {  	s2 =	sld [smem:$0x3FB1]  }
0x29: {  	s4 =	sld [smem:$0x3FB3]  }
0x2a: {  	p0 =	seq.s32 s5, $0x0;
	s5 =	sld [smem:$0x3FB4]  }
0x2b: {  	s6 =	sld [smem:$0x3FB5]  }
0x2c: {  	s7 =	sld [smem:$0x3FB6]  }
0x2d: {  	s3 =	simm.s32 $0x108;
	s8 =	sld [smem:$0x3FB7]  }
0x2e: {  	s3 =	simm.s32 @!p0 $0x1082;
	s9 =	sld [smem:$0x3FB8]  }
0x2f: {  	lr =	sadd.s32 s0, s3;
	s0 =	sld [smem:$0x3FAF]  }
0x30: {  	s3 =	sld [smem:$0x3FB2]  }
0x31: {  	[smem:$0x3FBB] =	sst s10  }
0x32: {  	s10 =	sld [smem:$0x3FB9];
	_ =	sdelay $0x3  }
0x33: {  	p0 =	seq.s32 s10, $0x1;
	s10 =	sld [smem:$0x3FBB];
	_ =	sdelay $0x3  }
0x34: {  	[smem:$0x3FBB] =	sst s10  }
0x35: {  	s10 =	sld [smem:$0x3FBA];
	_ =	sdelay $0x3  }
0x36: {  	p1 =	seq.s32 s10, $0x1;
	s10 =	sld [smem:$0x3FBB];
	_ =	sdelay $0x3  }
0x37: {  	[smem:$0x3FBB] =	sst s10  }
0x38: {  	s10 =	sld [smem:$0x3FBC]  }
0x39: {  	_ = 	snop;
	(pc) =	sbr.ind lr, $3  }
0x3a: {  	_ = 	snop  }
0x3b: {  	_ = 	snop  }
0x3c: {  	p2 =	seq.s32 s10, $0x1;
	s10 =	sld [smem:$0x3FBB]  }
0x3d: {  	_ =	shalt  }
0x3e: {  	_ =	shalt  }
0x3f: {  	_ =	shalt  }
0x40: {  	_ =	shalt  }
0x41: {  	_ =	shalt  }
0x42: {  	_ =	shalt  }
0x43: {  	_ =	shalt  }
0x44: {  	_ =	shalt  }
0x45: {  	_ =	shalt  }
0x46: {  	_ =	shalt  }
0x47: {  	_ =	shalt  }
0x48: {  	_ =	shalt  }
0x49: {  	_ =	shalt  }
0x4a: {  	_ =	shalt  }
0x4b: {  	_ =	shalt  }
0x4c: {  	_ =	shalt  }
0x4d: {  	_ =	shalt  }
0x4e: {  	_ =	shalt  }
0x4f: {  	_ =	shalt  }
0x50: {  	_ =	shalt  }
0x51: {  	_ =	shalt  }
0x52: {  	_ =	shalt  }
0x53: {  	_ =	shalt  }
0x54: {  	_ =	shalt  }
0x55: {  	_ =	shalt  }
0x56: {  	_ =	shalt  }
0x57: {  	_ =	shalt  }
0x58: {  	_ =	shalt  }
0x59: {  	_ =	shalt  }
0x5a: {  	_ =	shalt  }
0x5b: {  	_ =	shalt  }
0x5c: {  	_ =	shalt  }
0x5d: {  	_ =	shalt  }
0x5e: {  	_ =	shalt  }
0x5f: {  	_ =	shalt  }
0x60: {  	_ =	shalt  }
0x61: {  	_ =	shalt  }
0x62: {  	_ =	shalt  }
0x63: {  	_ =	shalt  }
0x64: {  	_ =	shalt  }
0x65: {  	_ =	shalt  }
0x66: {  	_ =	shalt  }
0x67: {  	_ =	shalt  }
0x68: {  	_ =	shalt  }
0x69: {  	_ =	shalt  }
0x6a: {  	_ =	shalt  }
0x6b: {  	_ =	shalt  }
0x6c: {  	_ =	shalt  }
0x6d: {  	_ =	shalt  }
0x6e: {  	_ =	shalt  }
0x6f: {  	_ =	shalt  }
0x70: {  	_ =	shalt  }
0x71: {  	_ =	shalt  }
0x72: {  	_ =	shalt  }
0x73: {  	_ =	shalt  }
0x74: {  	_ =	shalt  }
0x75: {  	_ =	shalt  }
0x76: {  	_ =	shalt  }
0x77: {  	_ =	shalt  }
0x78: {  	_ =	shalt  }
0x79: {  	_ =	shalt  }
0x7a: {  	_ =	shalt  }
0x7b: {  	_ =	shalt  }
0x7c: {  	_ =	shalt  }
0x7d: {  	_ =	shalt  }
0x7e: {  	_ =	shalt  }
0x7f: {  	_ =	shalt  }
0x80: {  	_ =	shalt  }
0x81: {  	_ =	shalt  }
0x82: {  	_ =	shalt  }
0x83: {  	_ =	shalt  }
0x84: {  	_ =	shalt  }
0x85: {  	_ =	shalt  }
0x86: {  	_ =	shalt  }
0x87: {  	_ =	shalt  }
.Lfunc_end0:
.L_simem_size_0:
called_computation_lowered:
.L_overlay_start_0:
0x88: {  	s2 =	sld [smem:$0x3FD9]  }
0x89: {  	s3 =	sld [smem:$0x3FFE];
	_ =	sdelay $0x1  }
0x8a: {  	s1 =	srdreg.scid  }
0x8b: {  	s0 =	sand.u32 $0x1, s1  }
0x8c: {  	s17 =	sshll.u32 s0, $0xA;
	s2 =	sadd.s32 s3, s2  }
0x8d: {  	s2 =	sadd.s32 s2, s17  }
0x8e: {  	[smem:$0x3FC7] =	sst s2  }
0x8f: {  	_ = 	snop  }
0x90: {  	s2 =	sld [smem:$0x3FC9];
	(tm) =	ssettm $0x1  }
0x91: {  	s18 =	sld [smem:$0x3FFB];
	_ =	sdelay $0x3  }
0x92: {  	_ =	strace s18  }
0x93: {  	s3 =	sld [smem:$0x3FFC];
	_ =	sdelay $0x3  }
0x94: {  	_ =	strace s3  }
0x95: {  	s3 =	sld [smem:$0x3FFD];
	_ =	sdelay $0x3  }
0x96: {  	_ =	strace s3  }
0x97: {  	_ =	strace $0x8FFFFFFF  }
0x98: {  	s19 =	sld [smem:$0x3FDB];
	_ =	sdelay $0x1  }
0x99: {  	s4 =	simm.s32 $_scs_section_size  }
0x9a: {  	s5 =	simm.s32 $_size__tile_overlayer_lowered;
	s6 =	simm.s32 $_tile_overlayer_lowered  }
0x9b: {  	s22 =	simm.s32 $0x1BFF;
	s21 =	sshll.u32 s6, $0x1;
	s3 =	sadd.s32 s4, s19  }
0x9c: {  	s7 =	simm.s32 $0x0;
	s20 =	sshll.u32 s5, $0x1;
	s5 =	sadd.s32 s21, s3  }
0x9d: {  	[timem:s7], [sflag:s22] =	dma.local [hbm:s5], s20  }
0x9e: {  	_ =	swait.ge [sflag:s22], s20  }
0x9f: {  	s4 =	ssub.s32 $0x0, s20;
	[sflag:s22] =	ssyncset.done $0x0  }
0xa0: {  	[sflag:s22] =	ssyncadd.s32 s4;
	_ =	sdelay $0x1  }
0xa1: {  	s23 =	simm.s32 $0x1B8B  }
0xa2: {  	_ =	swait.ge [sflag:s23], $0x1  }
0xa3: {  	[sflag:s23] =	ssyncset.done $0x0  }
0xa4: {  	s25 =	simm.s32 $0x1B8E;
	s24 =	sld [smem:$0x3FFE];
	[sflag:s23] =	ssyncadd.s32 $0xFFFFFFFF  }
0xa5: {  	s26 =	simm.s32 $execute0_lowered;
	[smem:$0x3FD2] =	sst s25  }
0xa6: {  	s5 =	sshll.u32 s26, $0x1;
	_ =	strace $0x80000046;
	[dreg:$0x1] =	wrdreg $0xFFFFFFFF  }
0xa7: {  	s28 =	simm.s32 $_size_execute0_lowered;
	s3 =	sadd.s32 s3, s5;
	[dreg:$0x0] =	wrdreg $0x0  }
0xa8: {  	s5 =	sshll.u32 s28, $0x1;
	[dreg:$0x2] =	wrdreg s3  }
0xa9: {  	[dreg:$0x3] =	wrdreg s5  }
0xaa: {  	[dreg:$0x4] =	wrdreg $0xC0  }
0xab: {  	_ =	task [dreg:s7], $0x5FFFF  }
0xac: {  	[dreg:$0x1] =	wrdreg $0xFFFFFFFF  }
0xad: {  	[dreg:$0x0] =	wrdreg $0x60  }
0xae: {  	[dreg:$0x2] =	wrdreg s2  }
0xaf: {  	[dreg:$0x3] =	wrdreg s24  }
0xb0: {  	[dreg:$0x4] =	wrdreg $0x9  }
0xb1: {  	_ =	task.clear_ibuf [dreg:s7], $0x5FFFF;
	_ =	strace $0x90000046  }
0xb2: {  	s29 =	simm.s32 $0x9;
	_ =	strace $0x80000048  }
0xb3: {  	_ =	swait.ge [sflag:s29], $0x1  }
0xb4: {  	[sflag:s29] =	ssyncadd.s32 $0xFFFFFFFF  }
0xb5: {  	_ =	strace $0x90000048  }
0xb6: {  	_ =	sfence  }
0xb7: {  	s30 =	sld [smem:$0x0];
	_ =	sdelay $0x2  }
0xb8: {  	s31 =	sshll.u32 s1, $0xD;
	s1 =	sshrl.u32 s1, $0x2  }
0xb9: {  	s3 =	sand.u32 $0x4000, s31;
	s1 =	sadd.s32 s1, s30  }
0xba: {  	s0 =	sor.u32 s3, s0;
	s1 =	sshll.u32 s1, $0x11  }
0xbb: {  	s0 =	sor.u32 s1, s0  }
0xbc: {  	s0 =	sadd.s32 $0x8F2B, s0  }
0xbd: {  	[sflag:s0] =	ssyncadd.remote.s32 $0x1  }
0xbe: {  	_ =	sfence.sel $0xFFFF  }
0xbf: {  	[dreg:$0x0] =	wrdreg $0xFFFFFFFF;
	(pc) =	sbr.abs _section_cstart, $3  }
0xc0: {  	[dreg:$0x1] =	wrdreg $0xFFFFFFFF  }
0xc1: {  	_ =	task.clear_ibuf [dreg:s7], $0x2FFFF;
	_ =	strace $0x9FFFFFFF  }
0xc2: {  	(tm) =	ssettm $0x7FFFFFFF  }
0xc3: {  	_ =	shalt  }
tec
execute0_lowered:
.L_overlay_start_1:
0x0: {  	(tag) =	ssettag $0x1  }
0x1: {  	s3 =	rddreg [dreg:$0x0]  }
0x2: {  	v0 =	vimm.s32 $0xEFCDAB89;
	s4 =	rddreg [dreg:$0x1]  }
0x3: {  	v1 =	vimm.s32 $0x67452301;
	v2 =	vimm.s32 $0xDCFE98BA;
	s0 =	rddreg [dreg:$0x2];
	v3 =	vimm.s32 $0x54761032  }
0x4: {  	s2 =	simm.s32 $0x0;
	s5 =	srdreg.scid;
	s1 =	stileid.u32;
	v4 =	vimm.s32 $0xBA98FEDC;
	v5 =	vimm.s32 $0x32107654;
	v6 =	vimm.s32 $0xFEDCBA98  }
0x5: {  	v7 =	vimm.s32 $0x76543210;
	s9 =	simm.s32 $0x8000;
	s10 =	simm.s32 $0x3;
	s11 =	simm.s32 $0x0;
	v0 =	vunpack.c.l.s4.s8 v0;
	v1 =	vunpack.c.l.s4.s8 v1  }
0x6: {  	v2 =	vunpack.c.l.s4.s8 v2;
	[smem:$0x7FF] =	sst s2;
	s5 =	sand.u32 $0x1, s5;
	s6 =	sshll.u32 s1, $0x8;
	v3 =	vunpack.c.l.s4.s8 v3;
	v4 =	vunpack.c.l.s4.s8 v4  }
0x7: {  	s7 =	sshrl.u32 s1, $0x2;
	v5 =	vunpack.c.l.s4.s8 v5;
	v6 =	vunpack.c.l.s4.s8 v6;
	s8 =	sshll.u32 s5, $0x7;
	s6 =	sand.u32 $0x300, s6;
	v0 =	vunpack.c.0.s8.s32 v0  }
0x8: {  	s28 =	sshll.u32 s7, $0xA;
	s7 =	sshll.u32 s7, $0x12;
	s5 =	ssub.s32 $0x2, s5;
	v1 =	vunpack.c.0.s8.s32 v1;
	v2 =	vunpack.c.0.s8.s32 v2;
	v3 =	vunpack.c.0.s8.s32 v3  }
0x9: {  	v7 =	vunpack.c.l.s4.s8 v7;
	_ =	strace $0x80000047;
	s6 =	sor.u32 s8, s6;
	v4 =	vunpack.c.0.s8.s32 v4;
	v5 =	vunpack.c.0.s8.s32 v5;
	s30 =	sshrl.u32 s5, $0x1  }
0xa: {  	s8 =	sor.u32 s28, s6;
	s6 =	sor.u32 s7, s6;
	s31 =	ssub.s32 s5, s30;
	v1 =	vcombine.low v1, v0;
	v2 =	vcombine.low v3, v2;
	v3 =	vunpack.c.0.s8.s32 v6  }
0xb: {  	vm0 =	vmmov $0x1;
	s29 =	sshrl.u32 s8, $0x3;
	s6 =	sshrl.u32 s6, $0x3;
	v4 =	vcombine.low v5, v4;
	v5 =	vunpack.c.0.s8.s32 v7;
	s8 =	simm.s32 $0x2  }
0xc: {  	v0 =	vlaneseq.u32;
	s7 =	sadd.s32 s29, s4;
	s3 =	sadd.s32 s3, s6;
	s6 =	smax.u32 s31, $0x1;
	v1 =	vand.u32 $0xF, v1;
	v6 =	vand.u32 $0xF, v3  }
0xd: {  	s4 =	sadd.s32 $0x4000, s3;
	s5 =	sadd.s32 $0x200, s7;
	s7 =	simm.s32 $0x1;
	v2 =	vand.u32 $0xF, v2;
	v3 =	vand.u32 $0xF, v4;
	v4 =	vcombine.low v6, v5  }
.LBB2_1:
0xe: {  	s12 =	simm.s32 $0x80  }
0xf: {  	s15 =	sadd.s32 $0x0, s3;
	s13 =	simm.s32 $0x100;
	s14 =	simm.s32 $0x0  }
.LBB2_2:
0x10: {  	[tilespmem:s14], [sflag:$0x1] =	stream.linear.gather [hbm4b:s15+s2], $0x80, $0x38;
	[tilespmem:$0x8080] =	vst v63  }
0x11: {  	s15 =	smov.u32 s12;
	s14 =	smov.u32 s13;
	p0 =	sne.s32 s12, $0x3F80  }
.Ltmp0:
0x12: {  	s12 =	sadd.s32 $0x80, s12;
	(pc) =	sbr.rel @p0 .LBB2_2-.Ltmp0, $2  }
0x13: {  	_ =	sdelay $0x2  }
0x14: {  	s13 =	sadd.s32 $0x100, s13;
	s15 =	sadd.s32 s15, s3  }
0x15: {  	[tilespmem:s14], [sflag:$0x1] =	stream.linear.gather [hbm4b:s15+s2], $0x80, $0x38;
	[tilespmem:$0x8080] =	vst v63  }
0x16: {  	s12 =	simm.s32 $0x80  }
0x17: {  	s13 =	simm.s32 $0x80;
	s15 =	sadd.s32 $0x0, s4;
	s14 =	simm.s32 $0x180  }
.LBB2_4:
0x18: {  	[tilespmem:s12], [sflag:$0x2] =	stream.linear.gather [hbm4b:s15+s2], $0x80, $0x38;
	[tilespmem:$0x8080] =	vst v63  }
0x19: {  	s15 =	smov.u32 s13;
	s12 =	smov.u32 s14;
	p0 =	sne.s32 s13, $0x3F80  }
.Ltmp1:
0x1a: {  	s13 =	sadd.s32 $0x80, s13;
	(pc) =	sbr.rel @p0 .LBB2_4-.Ltmp1, $2  }
0x1b: {  	_ =	sdelay $0x2  }
0x1c: {  	s14 =	sadd.s32 $0x100, s14;
	s15 =	sadd.s32 s15, s4  }
0x1d: {  	[tilespmem:s12], [sflag:$0x2] =	stream.linear.gather [hbm4b:s15+s2], $0x80, $0x38;
	[tilespmem:$0x8080] =	vst v63  }
0x1e: {  	_ =	swait.ge [sflag:s7], $0x4000  }
0x1f: {  	[sflag:s7] =	ssyncset.done $0x0  }
0x20: {  	s31 =	simm.s32 $0x40;
	[sflag:s7] =	ssyncadd.s32 $0xFFFFC000  }
0x21: {  	v7 =	vld [tilespmem:s31+$0xFFFFFFC0]  }
0x22: {  	v9 =	vld [tilespmem:s31+$0xFFFFFFD0]  }
0x23: {  	v11 =	vld [tilespmem:s31+$0xFFFFFFE0]  }
0x24: {  	v12 =	vld [tilespmem:s31+$0xFFFFFFF0]  }
0x25: {  	v13 =	vld [tilespmem:s31+$0x0]  }
0x26: {  	v15 =	vld [tilespmem:s31+$0x10]  }
0x27: {  	v16 =	vld [tilespmem:s31+$0x20];
	_ =	sdelay $0x1  }
0x28: {  	v17 =	vimm.f32 $-Inf;
	s14 =	simm.s32 $0x140;
	v18 =	vld [tilespmem:s31+$0x30]  }
0x29: {  	v5 =	vimm.s32 $0x0;
	v27 =	vld [tilespmem:s14+$0xFFFFFFC0];
	vm1 =	vgt.f32 v7, v17;
	vm2 =	vgt.f32 v9, v17  }
0x2a: {  	v6 =	vld [tilespmem:s14+$0xFFFFFFD0];
	vm3 =	vgt.f32 v11, v17;
	vm4 =	vgt.f32 v12, v17;
	vm5 =	vgt.f32 v13, v17  }
0x2b: {  	s13 =	simm.s32 $0x0;
	v28 =	vld [tilespmem:s14+$0xFFFFFFE0];
	vm6 =	vgt.f32 v15, v17;
	vm7 =	vgt.f32 v16, v17;
	v8 =	vsel vm1, v7, v17  }
0x2c: {  	v21 =	vld [tilespmem:s14+$0x0];
	v10 =	vsel vm1, s13, v5;
	v9 =	vsel vm2, v9, v17;
	v11 =	vsel vm3, v11, v17  }
0x2d: {  	v14 =	vld [tilespmem:s14+$0x10];
	v12 =	vsel vm4, v12, v17;
	v13 =	vsel vm5, v13, v17;
	vm1 =	vgt.f32 v18, v17  }
0x2e: {  	v7 =	vld [tilespmem:s14+$0xFFFFFFF0];
	v15 =	vsel vm6, v15, v17;
	v16 =	vsel vm7, v16, v17;
	v19 =	vsel vm3, s13, v5  }
0x2f: {  	v25 =	vld [tilespmem:s14+$0x20];
	v20 =	vsel vm4, s13, v5;
	v22 =	vsel vm5, s13, v5;
	v23 =	vsel vm6, s13, v5  }
0x30: {  	s12 =	simm.s32 $0x1;
	s15 =	simm.s32 $0x2;
	v26 =	vld [tilespmem:s14+$0x30];
	s14 =	simm.s32 $0x240;
	v24 =	vsel vm7, s13, v5;
	v17 =	vsel vm1, v18, v17;
	v18 =	vsel vm2, s13, v5  }
.LBB2_6:
0x31: {  	v29 =	vld [tilespmem:s14+$0xFFFFFFC0];
	p0 =	sne.s32 s15, $0x7F;
	vm2 =	vgt.f32 v27, v8;
	vm3 =	vgt.f32 v6, v9;
	v5 =	vsel vm1, s13, v5;
	s13 =	smov.u32 s12;
	s12 =	smov.u32 s15  }
0x32: {  	v8 =	vsel vm2, v27, v8;
	v10 =	vsel vm2, s13, v10;
	v9 =	vsel vm3, v6, v9;
	v6 =	vld [tilespmem:s14+$0xFFFFFFD0]  }
0x33: {  	vm4 =	vgt.f32 v7, v12;
	vm2 =	vgt.f32 v28, v11;
	vm5 =	vgt.f32 v21, v13;
	v30 =	vld [tilespmem:s14+$0xFFFFFFE0]  }
.Ltmp2:
0x34: {  	v12 =	vsel vm4, v7, v12;
	v11 =	vsel vm2, v28, v11;
	v13 =	vsel vm5, v21, v13;
	v7 =	vld [tilespmem:s14+$0xFFFFFFF0];
	(pc) =	sbr.rel @p0 .LBB2_6-.Ltmp2, $4  }
0x35: {  	vm6 =	vgt.f32 v14, v15;
	vm7 =	vgt.f32 v25, v16;
	v21 =	vld [tilespmem:s14+$0x0];
	vm1 =	vgt.f32 v26, v17  }
0x36: {  	v15 =	vsel vm6, v14, v15;
	v16 =	vsel vm7, v25, v16;
	v14 =	vld [tilespmem:s14+$0x10];
	v17 =	vsel vm1, v26, v17;
	v27 =	vmovc v29  }
0x37: {  	v18 =	vsel vm3, s13, v18;
	v20 =	vsel vm4, s13, v20;
	v19 =	vsel vm2, s13, v19;
	v25 =	vld [tilespmem:s14+$0x20]  }
0x38: {  	s15 =	sadd.s32 $0x1, s15;
	v22 =	vsel vm5, s13, v22;
	v23 =	vsel vm6, s13, v23;
	v24 =	vsel vm7, s13, v24;
	v26 =	vld [tilespmem:s14+$0x30];
	s14 =	sadd.s32 $0x100, s14;
	v28 =	vmovc v30  }
0x39: {  	_ =	swait.ge [sflag:s8], $0x4000  }
0x3a: {  	[sflag:s8] =	ssyncset.done $0x0  }
0x3b: {  	s14 =	simm.s32 $0xF0;
	[sflag:s8] =	ssyncadd.s32 $0xFFFFC000  }
0x3c: {  	vm2 =	vgt.f32 v27, v8;
	vm3 =	vgt.f32 v6, v9;
	v5 =	vsel vm1, s13, v5;
	v29 =	vld [tilespmem:s14+$0xFFFFFF90]  }
0x3d: {  	vm1 =	vgt.f32 v28, v11;
	v8 =	vsel vm2, v27, v8;
	v10 =	vsel vm2, s12, v10;
	v31 =	vld [tilespmem:s14+$0xFFFFFFA0]  }
0x3e: {  	v30 =	vsel vm3, v6, v9;
	vm2 =	vgt.f32 v7, v12;
	vm4 =	vgt.f32 v21, v13;
	v32 =	vld [tilespmem:s14+$0xFFFFFFB0]  }
0x3f: {  	v11 =	vsel vm1, v28, v11;
	v34 =	vsel vm1, s12, v19;
	v13 =	vsel vm4, v21, v13;
	v21 =	vld [tilespmem:s14+$0xFFFFFFC0]  }
0x40: {  	v12 =	vsel vm2, v7, v12;
	vm5 =	vgt.f32 v14, v15;
	v35 =	vsel vm2, s12, v20;
	v33 =	vld [tilespmem:s14+$0xFFFFFFD0]  }
0x41: {  	v22 =	vsel vm4, s12, v22;
	vm6 =	vgt.f32 v25, v16;
	v15 =	vsel vm5, v14, v15;
	v19 =	vld [tilespmem:s14+$0xFFFFFFF0]  }
0x42: {  	v23 =	vsel vm5, s12, v23;
	v20 =	vld [tilespmem:s14+$0x0];
	vm7 =	vgt.f32 v26, v17;
	v16 =	vsel vm6, v25, v16  }
0x43: {  	s31 =	simm.s32 $0x1F0;
	v25 =	vld [tilespmem:s14+$0xFFFFFFE0];
	v24 =	vsel vm6, s12, v24;
	v17 =	vsel vm7, v26, v17;
	v26 =	vsel vm3, s12, v18  }
0x44: {  	v27 =	vld [tilespmem:s31+$0xFFFFFF90];
	v5 =	vsel vm7, s12, v5;
	vm1 =	vgt.f32 v29, v8;
	vm2 =	vgt.f32 v31, v30  }
0x45: {  	v6 =	vld [tilespmem:s31+$0xFFFFFFA0];
	s12 =	simm.s32 $0x80;
	vm3 =	vgt.f32 v32, v11;
	vm12 =	vgt.f32 v21, v12;
	vm13 =	vgt.f32 v33, v13  }
0x46: {  	v28 =	vld [tilespmem:s31+$0xFFFFFFB0];
	vm15 =	vgt.f32 v19, v16;
	v7 =	vsel vm1, v29, v8;
	v9 =	vsel vm1, s12, v10  }
0x47: {  	v14 =	vld [tilespmem:s31+$0xFFFFFFE0];
	v8 =	vsel vm2, v31, v30;
	v11 =	vsel vm3, v32, v11;
	v12 =	vsel vm12, v21, v12  }
0x48: {  	v18 =	vld [tilespmem:s31+$0xFFFFFFD0];
	v13 =	vsel vm13, v33, v13;
	vm14 =	vgt.f32 v25, v15;
	vm1 =	vgt.f32 v20, v17  }
0x49: {  	v10 =	vld [tilespmem:s31+$0xFFFFFFC0];
	v16 =	vsel vm15, v19, v16;
	v19 =	vsel vm2, s12, v26;
	v21 =	vsel vm12, s12, v35  }
0x4a: {  	v26 =	vld [tilespmem:s31+$0x0];
	v22 =	vsel vm13, s12, v22;
	v24 =	vsel vm15, s12, v24;
	v15 =	vsel vm14, v25, v15  }
0x4b: {  	s13 =	simm.s32 $0x81;
	s15 =	simm.s32 $0x82;
	s14 =	simm.s32 $0x2F0;
	v17 =	vsel vm1, v20, v17;
	v25 =	vld [tilespmem:s31+$0xFFFFFFF0];
	v20 =	vsel vm3, s12, v34;
	v23 =	vsel vm14, s12, v23  }
.LBB2_8:
0x4c: {  	v29 =	vld [tilespmem:s14+$0xFFFFFF90];
	p0 =	sne.s32 s15, $0xFF;
	vm2 =	vgt.f32 v27, v7;
	vm3 =	vgt.f32 v6, v8;
	v5 =	vsel vm1, s12, v5;
	s12 =	smov.u32 s13;
	s13 =	smov.u32 s15  }
0x4d: {  	v7 =	vsel vm2, v27, v7;
	v9 =	vsel vm2, s12, v9;
	v8 =	vsel vm3, v6, v8;
	v6 =	vld [tilespmem:s14+$0xFFFFFFA0]  }
0x4e: {  	vm4 =	vgt.f32 v10, v12;
	vm2 =	vgt.f32 v28, v11;
	vm5 =	vgt.f32 v18, v13;
	v30 =	vld [tilespmem:s14+$0xFFFFFFB0]  }
.Ltmp3:
0x4f: {  	v12 =	vsel vm4, v10, v12;
	v11 =	vsel vm2, v28, v11;
	v13 =	vsel vm5, v18, v13;
	v10 =	vld [tilespmem:s14+$0xFFFFFFC0];
	(pc) =	sbr.rel @p0 .LBB2_8-.Ltmp3, $4  }
0x50: {  	vm6 =	vgt.f32 v14, v15;
	vm7 =	vgt.f32 v25, v16;
	v18 =	vld [tilespmem:s14+$0xFFFFFFD0];
	vm1 =	vgt.f32 v26, v17  }
0x51: {  	v15 =	vsel vm6, v14, v15;
	v16 =	vsel vm7, v25, v16;
	v14 =	vld [tilespmem:s14+$0xFFFFFFE0];
	v17 =	vsel vm1, v26, v17;
	v27 =	vmovc v29  }
0x52: {  	v19 =	vsel vm3, s12, v19;
	v21 =	vsel vm4, s12, v21;
	v20 =	vsel vm2, s12, v20;
	v25 =	vld [tilespmem:s14+$0xFFFFFFF0]  }
0x53: {  	s15 =	sadd.s32 $0x1, s15;
	v22 =	vsel vm5, s12, v22;
	v23 =	vsel vm6, s12, v23;
	v24 =	vsel vm7, s12, v24;
	v26 =	vld [tilespmem:s14+$0x0];
	s14 =	sadd.s32 $0x100, s14;
	v28 =	vmovc v30  }
0x54: {  	vm2 =	vgt.f32 v27, v7  }
0x55: {  	vm3 =	vgt.f32 v6, v8;
	v5 =	vsel vm1, s12, v5;
	vm1 =	vgt.f32 v28, v11  }
0x56: {  	v51 =	vor.u32 $0x10, v0;
	v52 =	vor.u32 $0x20, v0;
	v53 =	vor.u32 $0x30, v0  }
0x57: {  	v54 =	vor.u32 $0x40, v0;
	v55 =	vor.u32 $0x50, v0;
	v56 =	vor.u32 $0x60, v0  }
0x58: {  	v57 =	vor.u32 $0x70, v0;
	v7 =	vsel vm2, v27, v7;
	v9 =	vsel vm2, s13, v9  }
0x59: {  	v6 =	vsel vm3, v6, v8;
	vm2 =	vgt.f32 v10, v12;
	vm4 =	vgt.f32 v18, v13  }
0x5a: {  	v40 =	vsel vm1, v28, v11;
	v45 =	vsel vm3, s13, v19;
	v46 =	vsel vm1, s13, v20  }
0x5b: {  	v10 =	vsel vm2, v10, v12;
	v41 =	vsel vm4, v18, v13;
	vm5 =	vgt.f32 v14, v15  }
0x5c: {  	v47 =	vsel vm2, s13, v21;
	v48 =	vsel vm4, s13, v22;
	v9 =	vshll.u32 v9, $0x7  }
0x5d: {  	vm1 =	vgt.f32 v7, v6;
	vm2 =	veq.f32 v7, v6;
	vm6 =	vgt.f32 v25, v16  }
0x5e: {  	v42 =	vsel vm5, v14, v15;
	v49 =	vsel vm5, s13, v23;
	v9 =	vor.u32 v0, v9  }
0x5f: {  	v15 =	vshll.u32 v45, $0x7;
	v18 =	vshll.u32 v48, $0x7;
	vm10 =	veq.f32 v40, v10  }
0x60: {  	vm7 =	vgt.f32 v26, v17;
	v43 =	vsel vm6, v25, v16;
	v50 =	vsel vm6, s13, v24  }
0x61: {  	v16 =	vshll.u32 v46, $0x7;
	v15 =	vor.u32 v51, v15;
	v18 =	vor.u32 v54, v18  }
0x62: {  	v19 =	vshll.u32 v49, $0x7;
	v44 =	vsel vm7, v26, v17;
	v5 =	vsel vm7, s13, v5  }
0x63: {  	v16 =	vor.u32 v52, v16;
	v17 =	vshll.u32 v47, $0x7;
	v20 =	vshll.u32 v50, $0x7  }
0x64: {  	v19 =	vor.u32 v55, v19;
	vm3 =	vlt.s32 v9, v15;
	v17 =	vor.u32 v53, v17  }
0x65: {  	v20 =	vor.u32 v56, v20;
	v5 =	vshll.u32 v5, $0x7;
	vm2 =	vmand vm2, vm3  }
0x66: {  	vm3 =	vgt.f32 v40, v10;
	vm12 =	vlt.s32 v18, v19;
	vm13 =	veq.f32 v43, v44  }
0x67: {  	vm11 =	vlt.s32 v16, v17;
	v5 =	vor.u32 v57, v5;
	vm1 =	vmor vm1, vm2  }
0x68: {  	vm4 =	vmand vm10, vm11;
	v6 =	vsel vm1, v7, v6;
	v7 =	vsel vm1, v9, v15  }
0x69: {  	vm14 =	vlt.s32 v20, v5;
	vm2 =	vmor vm3, vm4;
	vm3 =	veq.f32 v41, v42  }
0x6a: {  	vm1 =	vgt.f32 v41, v42;
	vm4 =	vmand vm13, vm14;
	vm3 =	vmand vm3, vm12  }
0x6b: {  	v8 =	vsel vm2, v40, v10;
	vm1 =	vmor vm1, vm3;
	vm3 =	vgt.f32 v43, v44  }
0x6c: {  	v58 =	vsel vm2, v16, v17;
	v59 =	vsel vm1, v41, v42;
	vm2 =	vmor vm3, vm4  }
0x6d: {  	v60 =	vsel vm1, v18, v19;
	vm1 =	vgt.f32 v6, v8;
	vm3 =	vlt.s32 v7, v58  }
0x6e: {  	v61 =	vsel vm2, v43, v44;
	v5 =	vsel vm2, v20, v5;
	vm2 =	veq.f32 v6, v8  }
0x6f: {  	vm2 =	vmand vm2, vm3;
	vm3 =	veq.f32 v59, v61;
	vm15 =	vlt.s32 v60, v5  }
0x70: {  	vm1 =	vmor vm1, vm2;
	vm2 =	vgt.f32 v59, v61;
	vm3 =	vmand vm3, vm15  }
0x71: {  	v6 =	vsel vm1, v6, v8;
	vm2 =	vmor vm2, vm3  }
0x72: {  	v7 =	vsel vm1, v7, v58;
	v62 =	vsel vm2, v59, v61;
	v5 =	vsel vm2, v60, v5  }
0x73: {  	vm1 =	veq.f32 v6, v62;
	vm2 =	vlt.s32 v7, v5  }
0x74: {  	vm3 =	vgt.f32 v6, v62;
	vm1 =	vmand vm1, vm2  }
0x75: {  	vm1 =	vmor vm3, vm1  }
0x76: {  	v6 =	vsel vm1, v6, v62  }
0x77: {  	v8 =	vperm.xlane v6, v1;
	_ =	sdelay $0x1  }
0x78: {  	v8 =	vmax.f32 v6, v8  }
0x79: {  	v63 =	vperm.xlane v8, v2;
	_ =	sdelay $0x1  }
0x7a: {  	v8 =	vmax.f32 v8, v63  }
0x7b: {  	v9 =	vperm.xlane v8, v3;
	_ =	sdelay $0x1  }
0x7c: {  	v8 =	vmax.f32 v8, v9  }
0x7d: {  	v9 =	vperm.xlane v8, v4;
	_ =	sdelay $0x1  }
0x7e: {  	v8 =	vmax.f32 v8, v9  }
0x7f: {  	v5 =	vsel vm1, v7, v5;
	vm1 =	veq.f32 v6, v8  }
0x80: {  	v5 =	vnsel vm1, $0x8000, v5  }
0x81: {  	v6 =	vperm.xlane v5, v1;
	_ =	sdelay $0x1  }
0x82: {  	vm1 =	vlt.s32 v5, v6  }
0x83: {  	v5 =	vsel vm1, v5, v6  }
0x84: {  	v6 =	vperm.xlane v5, v2;
	_ =	sdelay $0x1  }
0x85: {  	vm1 =	vlt.s32 v5, v6  }
0x86: {  	v5 =	vsel vm1, v5, v6  }
0x87: {  	v6 =	vperm.xlane v5, v3;
	_ =	sdelay $0x1  }
0x88: {  	vm1 =	vlt.s32 v5, v6  }
0x89: {  	v5 =	vsel vm1, v5, v6  }
0x8a: {  	v6 =	vperm.xlane v5, v4;
	_ =	sdelay $0x1  }
0x8b: {  	vm1 =	vlt.s32 v5, v6  }
0x8c: {  	s11 =	sadd.s32 $0x1, s11;
	v5 =	vsel vm1, v5, v6  }
0x8d: {  	p0 =	sne.s32 s11, s6;
	v5 =	vnsel vm0, $0x0, v5  }
.Ltmp4:
0x8e: {  	[tilespmem:$0x8000] =	vst v5;
	(pc) =	sbr.rel @p0 .LBB2_1-.Ltmp4, $4  }
0x8f: {  	[hbm4b:s5+s2] =	stream.linear.scatter [tilespmem:s9], [sflag:$0x3], $0x10, $0x38;
	[tilespmem:$0x8080] =	vst v63  }
0x90: {  	_ =	swait.ge [sflag:s10], $0x10  }
0x91: {  	[sflag:s10] =	ssyncset.done $0x0  }
0x92: {  	[sflag:s10] =	ssyncadd.s32 $0xFFFFFFF0  }
0x93: {  	_ =	sfence.sel $0x180000  }
0x94: {  	[bflag:$0x0] =	sbarrier.arrive $0xFFFF  }
0x95: {  	p0 =	sne.s32 s1, $0x0;
	_ =	strace $0x90000047  }
0x96: {  	s0 =	sadd.s32 @!p0 $0x100000, s0;
	[bflag:$0x2] =	sbarrier.arrive $0xFFFF  }
0x97: {  	[sflag:s0] =	ssyncadd.tile.s32 @!p0 $0x1;
	_ =	shalt  }
.Lfunc_end2:
_tile_overlayer_lowered:
.L_overlay_start_2:
0x98: {  	(tag) =	ssettag $0x2  }
0x99: {  	s0 =	rddreg [dreg:$0x0];
	s2 =	stileid.u32  }
0x9a: {  	s1 =	rddreg [dreg:$0x1];
	p0 =	sne.s32 s2, $0x0  }
0x9b: {  	s3 =	rddreg [dreg:$0x2];
	[bflag:$0x3] =	sbarrier.arrive $0xFFFF;
	s2 =	simm.s32 @!p0 $0x1C03  }
0x9c: {  	[timem:s3], [sflag:s2] =	dma.local @!p0 [hbm:s0], s1  }
0x9d: {  	s0 =	simm.s32 @!p0 $0x3  }
0x9e: {  	_ =	swait.ge @!p0 [sflag:s0], s1  }
0x9f: {  	s1 =	ssub.s32 @!p0 $0x0, s1;
	[sflag:s0] =	ssyncset.done @!p0 $0x0  }
0xa0: {  	[sflag:s0] =	ssyncadd.s32 @!p0 s1  }
0xa1: {  	[bflag:$0x3] =	sbarrier.arrive $0xFFFF  }
0xa2: {  	_ =	shalt  }

</sc_bundles>
